<compile_context>
chip_gen: v7x
topology: tpu7x:2x2x1
jax: 0.10.2.dev20260603
libtpu: 0.0.44.dev20260713+nightly
codegen_flags: <defaults>
</compile_context>

<pallas_src>
import functools

import jax
import jax.numpy as jnp
from jax import lax
from jax.experimental import pallas as pl
from jax.experimental.pallas import tpu as pltpu
from jax.experimental.pallas import tpu_sc as plsc

_B, _C, _H, _W = 4, 96, 256, 256
_SC_B = 1
_BC = 8
_GJ = _C // _BC
_SCALE = 127.0

_NC, _NS, _L = 2, 16, 16
_NW = _NC * _NS


def _sc_minmax(x_ll):
    mesh = plsc.VectorSubcoreMesh(core_axis_name="c", subcore_axis_name="s")

    @functools.partial(
        pl.kernel,
        mesh=mesh,
        out_type=[
            jax.ShapeDtypeStruct((_NW, _L), jnp.float32),
            jax.ShapeDtypeStruct((_NW, _L), jnp.float32),
        ],
        scratch_types=[
            pltpu.VMEM((_L,), jnp.float32),
            pltpu.VMEM((_L,), jnp.float32),
        ],
    )
    def k(x_hbm, min_hbm, max_hbm, accmin, accmax):
        accmin[...] = jnp.full((_L,), jnp.inf, jnp.float32)
        accmax[...] = jnp.full((_L,), -jnp.inf, jnp.float32)

        def body(chunk):
            def row(r, carry):
                mn0, mx0, mn1, mx1 = carry
                for c in range(0, _W, 2 * _L):
                    v0 = chunk[0, 0, r, pl.ds(c, _L)]
                    v1 = chunk[0, 0, r, pl.ds(c + _L, _L)]
                    mn0 = jnp.minimum(mn0, v0)
                    mx0 = jnp.maximum(mx0, v0)
                    mn1 = jnp.minimum(mn1, v1)
                    mx1 = jnp.maximum(mx1, v1)
                return mn0, mx0, mn1, mx1

            mn0, mx0, mn1, mx1 = lax.fori_loop(
                0, 128, row,
                (accmin[...], accmax[...], accmin[...], accmax[...]),
            )
            accmin[...] = jnp.minimum(mn0, mn1)
            accmax[...] = jnp.maximum(mx0, mx1)

        pltpu.emit_pipeline(
            body,
            grid=(_SC_B, _C, 2),
            in_specs=[pl.BlockSpec((1, 1, _H // 2, _W),
                                   lambda b, c, h: (b, c, h, 0))],
            core_axis_name=("c", "s"),
            dimension_semantics=(pltpu.PARALLEL, pltpu.PARALLEL, pltpu.PARALLEL),
        )(x_hbm)

        wid = lax.axis_index("s") * _NC + lax.axis_index("c")
        pltpu.sync_copy(accmin, min_hbm.at[wid])
        pltpu.sync_copy(accmax, max_hbm.at[wid])

    return k(x_ll)


def _tc_minmax_body(x_ref, min_ref, max_ref, acc_min, acc_max):
    step = pl.program_id(0) * pl.num_programs(1) + pl.program_id(1)

    @pl.when(step == 0)
    def _init():
        acc_min[...] = jnp.full_like(acc_min, jnp.inf)
        acc_max[...] = jnp.full_like(acc_max, -jnp.inf)

    x = x_ref[...].reshape(_BC * _H, _W)
    acc_min[...] = jnp.minimum(acc_min[...], jnp.min(x, axis=0, keepdims=True))
    acc_max[...] = jnp.maximum(acc_max[...], jnp.max(x, axis=0, keepdims=True))

    @pl.when(step == (_B - _SC_B) * _GJ - 1)
    def _finish():
        min_ref[0, 0] = jnp.min(acc_min[...])
        max_ref[0, 0] = jnp.max(acc_max[...])


def _quant_body(min_ref, max_ref, x_ref, o_ref):
    x_min = min_ref[0, 0]
    x_max = max_ref[0, 0]
    x = x_ref[...]
    xn = (x - x_min) / (x_max - x_min) * 2.0 - 1.0
    o_ref[...] = jnp.round(xn * _SCALE) / _SCALE


def kernel(x_ll):
    sc_min, sc_max = _sc_minmax(x_ll)

    tc_min, tc_max = pl.pallas_call(
        _tc_minmax_body,
        grid=(_B - _SC_B, _GJ),
        in_specs=[pl.BlockSpec((1, _BC, _H, _W),
                               lambda i, j: (i + _SC_B, j, 0, 0))],
        out_specs=[
            pl.BlockSpec(memory_space=pltpu.SMEM),
            pl.BlockSpec(memory_space=pltpu.SMEM),
        ],
        out_shape=[
            jax.ShapeDtypeStruct((1, 1), jnp.float32),
            jax.ShapeDtypeStruct((1, 1), jnp.float32),
        ],
        scratch_shapes=[
            pltpu.VMEM((1, _W), jnp.float32),
            pltpu.VMEM((1, _W), jnp.float32),
        ],
    )(x_ll)

    x_min = jnp.minimum(tc_min[0, 0], jnp.min(sc_min))
    x_max = jnp.maximum(tc_max[0, 0], jnp.max(sc_max))

    q = pl.pallas_call(
        _quant_body,
        grid=(_B, _GJ),
        in_specs=[
            pl.BlockSpec(memory_space=pltpu.SMEM),
            pl.BlockSpec(memory_space=pltpu.SMEM),
            pl.BlockSpec((1, _BC, _H, _W), lambda i, j: (i, j, 0, 0)),
        ],
        out_specs=pl.BlockSpec((1, _BC, _H, _W), lambda i, j: (i, j, 0, 0)),
        out_shape=jax.ShapeDtypeStruct((_B, _C, _H, _W), jnp.float32),
    )(x_min.reshape(1, 1), x_max.reshape(1, 1), x_ll)

    return (q, x_min, x_max)

# --- scband reference (transcript-rebuilt; emitter-appended) ---
"""Pipeline reference for scband-llcoeff-compression-45440753992357 (READ-ONLY COPY).

The authoritative reference and input builder live on the scoring server;
editing this copy changes nothing except your own understanding.
"""

import jax, jax.numpy as jnp
import numpy as np


def setup_inputs(seed: int = 0) -> dict:
    key = jax.random.key(seed)
    x_ll = jax.random.normal(key, (4, 96, 256, 256), dtype=jnp.float32)
    return {"x_ll": x_ll}


def reference(x_ll):
    # strategy='quantize', bits=8 -> scale = 2**(bits-1) - 1 = 127
    scale = 2 ** (8 - 1) - 1
    x_min = jnp.min(x_ll)
    x_max = jnp.max(x_ll)
    x_normalized = (x_ll - x_min) / (x_max - x_min) * 2 - 1
    x_quantized = jnp.round(x_normalized * scale) / scale
    # torch module returns dict {'data', 'min', 'max', 'shape'}; shape is static metadata
    return (x_quantized, x_min, x_max)

if __name__ == "__main__":
    import jax
    _d = setup_inputs()
    print(jax.jit(kernel)(*tuple(_d.values())))

</pallas_src>

<mosaic_0001>
#map = affine_map<(d0, d1) -> (0, 0, 0, 0)>
#map1 = affine_map<(d0, d1) -> (0, 0)>
module attributes {stable_mosaic.version = 14 : i64} {
  func.func @k(%arg0: i32, %arg1: i32, %arg2: memref<4x96x256x256xf32, #tpu.memory_space<hbm>>, %arg3: memref<32x16xf32, #tpu.memory_space<hbm>>, %arg4: memref<32x16xf32, #tpu.memory_space<hbm>>, %arg5: memref<16xf32, #tpu.memory_space<vmem>>, %arg6: memref<16xf32, #tpu.memory_space<vmem>>) attributes {dimension_semantics = [#tpu.dimension_semantics<core_parallel>, #tpu.dimension_semantics<subcore_parallel>], iteration_bounds = array<i64: 2, 16>, scalar_prefetch = 0 : i64, scratch_operands = 2 : i64, tpu.core_type = #tpu.core_type<sc_vector_subcore>, window_params = [{transform_indices = #map}, {transform_indices = #map1}, {transform_indices = #map1}]} {
    %broadcast_in_dim3A = arith.constant 0x7F800000 : f32
    %broadcast_in_dim3A_0 = vector.broadcast %broadcast_in_dim3A : f32 to vector<16xf32>
    %swap3A = arith.constant 0 : index
    %swap3A_1 = tpu.vector_load %arg5[%swap3A] {strides = array<i32>} : memref<16xf32, #tpu.memory_space<vmem>>, vector<16xf32>,
    %swap3A_2 = vector.shape_cast %swap3A_1 : vector<16xf32> to vector<16xf32>
    %swap3A_3 = vector.shape_cast %broadcast_in_dim3A_0 : vector<16xf32> to vector<16xf32>
    tpu.vector_store %arg5[%swap3A], %swap3A_3 {strides = array<i32>} : memref<16xf32, #tpu.memory_space<vmem>>, vector<16xf32>,
    %broadcast_in_dim3A_4 = arith.constant 0xFF800000 : f32
    %broadcast_in_dim3A_5 = vector.broadcast %broadcast_in_dim3A_4 : f32 to vector<16xf32>
    %swap3A_6 = arith.constant 0 : index
    %swap3A_7 = tpu.vector_load %arg6[%swap3A_6] {strides = array<i32>} : memref<16xf32, #tpu.memory_space<vmem>>, vector<16xf32>,
    %swap3A_8 = vector.shape_cast %swap3A_7 : vector<16xf32> to vector<16xf32>
    %swap3A_9 = vector.shape_cast %broadcast_in_dim3A_5 : vector<16xf32> to vector<16xf32>
    tpu.vector_store %arg6[%swap3A_6], %swap3A_9 {strides = array<i32>} : memref<16xf32, #tpu.memory_space<vmem>>, vector<16xf32>,
    %mul3A = arith.constant 1 : i32
    %mul3A_10 = arith.muli %arg1, %mul3A : i32
    %add3A = arith.constant 0 : i32
    %add3A_11 = arith.addi %add3A, %mul3A_10 : i32
    %mul3A_12 = arith.constant 16 : i32
    %mul3A_13 = arith.muli %arg0, %mul3A_12 : i32
    %add3A_14 = arith.addi %add3A_11, %mul3A_13 : i32
    %mul3A_15 = arith.constant 3 : i32
    %mul3A_16 = arith.muli %add3A_14, %mul3A_15 : i32
    "tpu.region"() ({
      %run_scoped3A = memref.alloca() : memref<2x1x1x128x256xf32, #tpu.memory_space<vmem>>
      %run_scoped3A_20 = tpu.sem_alloc : memref<2x!tpu.dma_semaphore, #tpu.memory_space<semaphore_mem>>
      %add3A_21 = arith.constant 0 : i32
      %add3A_22 = arith.addi %add3A_21, %mul3A_16 : i32
      %select_n3A = arith.constant true
      %select_n3A_23 = arith.constant 0 : i32
      %select_n3A_24 = arith.constant -1 : i32
      %select_n3A_25 = arith.select %select_n3A, %select_n3A_24, %select_n3A_23 : i32
      %eq3A = arith.constant -1 : i32
      %eq3A_26 = arith.cmpi eq, %select_n3A_25, %eq3A : i32
      %select_n3A_27 = arith.constant 1 : i32
      %select_n3A_28 = arith.select %eq3A_26, %select_n3A_27, %select_n3A_25 : i32
      %select_n3A_29 = arith.constant 0 : i32
      %select_n3A_30 = arith.constant -1 : i32
      %select_n3A_31 = arith.select %eq3A_26, %select_n3A_30, %select_n3A_29 : i32
      %eq3A_32 = arith.constant -1 : i32
      %eq3A_33 = arith.cmpi eq, %select_n3A_31, %eq3A_32 : i32
      %select_n3A_34 = arith.constant 2 : i32
      %select_n3A_35 = arith.select %eq3A_33, %select_n3A_34, %select_n3A_31 : i32
      %select_n3A_36 = arith.constant 0 : i32
      %select_n3A_37 = arith.constant -1 : i32
      %select_n3A_38 = arith.select %eq3A_33, %select_n3A_37, %select_n3A_36 : i32
      %eq3A_39 = arith.constant -1 : i32
      %eq3A_40 = arith.cmpi eq, %select_n3A_38, %eq3A_39 : i32
      %select_n3A_41 = arith.constant 0 : i32
      %select_n3A_42 = arith.select %eq3A_40, %select_n3A_41, %select_n3A_38 : i32
      %add3A_43 = arith.addi %select_n3A_35, %mul3A_16 : i32
      %add3A_44 = arith.constant 0 : i32
      %add3A_45 = arith.addi %select_n3A_28, %add3A_44 : i32
      %select_n3A_46 = arith.constant true
      %select_n3A_47 = arith.constant 0 : i32
      %select_n3A_48 = arith.constant 1 : i32
      %select_n3A_49 = arith.select %select_n3A_46, %select_n3A_48, %select_n3A_47 : i32
      %eq3A_50 = arith.constant 2 : i32
      %eq3A_51 = arith.cmpi eq, %select_n3A_49, %eq3A_50 : i32
      %select_n3A_52 = arith.constant 0 : i32
      %select_n3A_53 = arith.select %eq3A_51, %select_n3A_52, %select_n3A_49 : i32
      %select_n3A_54 = arith.constant 0 : i32
      %select_n3A_55 = arith.constant 1 : i32
      %select_n3A_56 = arith.select %eq3A_51, %select_n3A_55, %select_n3A_54 : i32
      %eq3A_57 = arith.constant 3 : i32
      %eq3A_58 = arith.cmpi eq, %select_n3A_56, %eq3A_57 : i32
      %select_n3A_59 = arith.constant 0 : i32
      %select_n3A_60 = arith.select %eq3A_58, %select_n3A_59, %select_n3A_56 : i32
      %select_n3A_61 = arith.constant 0 : i32
      %select_n3A_62 = arith.constant 1 : i32
      %select_n3A_63 = arith.select %eq3A_58, %select_n3A_62, %select_n3A_61 : i32
      %eq3A_64 = arith.constant 1 : i32
      %eq3A_65 = arith.cmpi eq, %select_n3A_63, %eq3A_64 : i32
      %select_n3A_66 = arith.constant 0 : i32
      %select_n3A_67 = arith.select %eq3A_65, %select_n3A_66, %select_n3A_63 : i32
      %add3A_68 = arith.addi %select_n3A_60, %mul3A_16 : i32
      %add3A_69 = arith.constant 0 : i32
      %add3A_70 = arith.addi %select_n3A_53, %add3A_69 : i32
      %add3A_71 = arith.constant 1 : i32
      %add3A_72 = arith.addi %select_n3A_53, %add3A_71 : i32
      %select_n3A_73 = arith.constant true
      %select_n3A_74 = arith.select %select_n3A_73, %add3A_72, %select_n3A_53 : i32
      %eq3A_75 = arith.constant 2 : i32
      %eq3A_76 = arith.cmpi eq, %select_n3A_74, %eq3A_75 : i32
      %select_n3A_77 = arith.constant 0 : i32
      %select_n3A_78 = arith.select %eq3A_76, %select_n3A_77, %select_n3A_74 : i32
      %add3A_79 = arith.constant 1 : i32
      %add3A_80 = arith.addi %select_n3A_60, %add3A_79 : i32
      %select_n3A_81 = arith.select %eq3A_76, %add3A_80, %select_n3A_60 : i32
      %eq3A_82 = arith.constant 3 : i32
      %eq3A_83 = arith.cmpi eq, %select_n3A_81, %eq3A_82 : i32
      %select_n3A_84 = arith.constant 0 : i32
      %select_n3A_85 = arith.select %eq3A_83, %select_n3A_84, %select_n3A_81 : i32
      %select_n3A_86 = arith.constant 0 : i32
      %select_n3A_87 = arith.constant 1 : i32
      %select_n3A_88 = arith.select %eq3A_83, %select_n3A_87, %select_n3A_86 : i32
      %eq3A_89 = arith.constant 1 : i32
      %eq3A_90 = arith.cmpi eq, %select_n3A_88, %eq3A_89 : i32
      %select_n3A_91 = arith.constant 0 : i32
      %select_n3A_92 = arith.select %eq3A_90, %select_n3A_91, %select_n3A_88 : i32
      %add3A_93 = arith.addi %select_n3A_85, %mul3A_16 : i32
      %add3A_94 = arith.constant 0 : i32
      %add3A_95 = arith.addi %select_n3A_78, %add3A_94 : i32
      "tpu.trace_start"() <{level = 10 : i32, message = "ep_initialize_0"}> : () -> ()
      %rem3A = arith.constant 0 : i32
      %rem3A_96 = arith.constant 2 : i32
      %rem3A_97 = arith.remui %rem3A, %rem3A_96 : i32
      %mul3A_98 = arith.constant 1 : i32
      %mul3A_99 = arith.muli %mul3A_98, %add3A_22 : i32
      %dma_start3A = arith.constant 0 : i32
      %dma_start3A_100 = arith.constant 0 : i32
      %dma_start3A_101 = arith.constant 0 : i32
      %dma_start3A_102 = arith.constant 0 : i32
      %dma_start3A_103 = tpu.memref_slice %run_scoped3A[%rem3A_97, %dma_start3A, %dma_start3A_100, %dma_start3A_101, %dma_start3A_102] : memref<2x1x1x128x256xf32, #tpu.memory_space<vmem>> -> memref<1x1x1x128x256xf32, #tpu.memory_space<vmem>>
      %dma_start3A_104 = tpu.memref_squeeze %dma_start3A_103 : memref<1x1x1x128x256xf32, #tpu.memory_space<vmem>> -> memref<1x1x128x256xf32, #tpu.memory_space<vmem>>
      %dma_start3A_105 = arith.constant 0 : i32
      %dma_start3A_106 = arith.constant 0 : i32
      %dma_start3A_107 = arith.constant 0 : i32
      %dma_start3A_108 = tpu.memref_slice %arg2[%dma_start3A_105, %mul3A_99, %dma_start3A_106, %dma_start3A_107] : memref<4x96x256x256xf32, #tpu.memory_space<hbm>> -> memref<1x1x128x256xf32, #tpu.memory_space<hbm>>
      %dma_start3A_109 = tpu.memref_slice %run_scoped3A_20[%rem3A_97] : memref<2x!tpu.dma_semaphore, #tpu.memory_space<semaphore_mem>> -> memref<1x!tpu.dma_semaphore, #tpu.memory_space<semaphore_mem>>
      %dma_start3A_110 = tpu.memref_squeeze %dma_start3A_109 : memref<1x!tpu.dma_semaphore, #tpu.memory_space<semaphore_mem>> -> memref<!tpu.dma_semaphore, #tpu.memory_space<semaphore_mem>>
      %dma_start3A_111 = arith.constant 0 : i32
      %dma_start3A_112 = arith.constant 0 : i32
      %dma_start3A_113 = arith.constant 0 : i32
      %dma_start3A_114 = arith.constant 0 : i32
      %dma_start3A_115 = tpu.memref_slice %run_scoped3A[%rem3A_97, %dma_start3A_111, %dma_start3A_112, %dma_start3A_113, %dma_start3A_114] : memref<2x1x1x128x256xf32, #tpu.memory_space<vmem>> -> memref<1x1x1x128x256xf32, #tpu.memory_space<vmem>>
      %dma_start3A_116 = tpu.memref_squeeze %dma_start3A_115 : memref<1x1x1x128x256xf32, #tpu.memory_space<vmem>> -> memref<1x1x128x256xf32, #tpu.memory_space<vmem>>
      %dma_start3A_117 = arith.constant 0 : i32
      %dma_start3A_118 = arith.constant 0 : i32
      %dma_start3A_119 = arith.constant 0 : i32
      %dma_start3A_120 = tpu.memref_slice %arg2[%dma_start3A_117, %mul3A_99, %dma_start3A_118, %dma_start3A_119] : memref<4x96x256x256xf32, #tpu.memory_space<hbm>> -> memref<1x1x128x256xf32, #tpu.memory_space<hbm>>
      tpu.enqueue_dma source(%dma_start3A_120 : memref<1x1x128x256xf32, #tpu.memory_space<hbm>>) target(%dma_start3A_116 : memref<1x1x128x256xf32, #tpu.memory_space<vmem>>) target_semaphore(%dma_start3A_110 : memref<!tpu.dma_semaphore, #tpu.memory_space<semaphore_mem>>)
      %add3A_121 = arith.constant 0 : i32
      %add3A_122 = arith.constant 1 : i32
      %add3A_123 = arith.addi %add3A_121, %add3A_122 : i32
      %select_n3A_124 = arith.constant true
      %select_n3A_125 = arith.constant 0 : i32
      %select_n3A_126 = arith.select %select_n3A_124, %add3A_123, %select_n3A_125 : i32
      "tpu.trace_stop"() : () -> ()
      %scan3A = arith.constant 0 : i32
      %scan3A_127 = arith.constant 0 : i32
      %scan3A_128 = arith.constant 0 : i32
      %scan3A_129 = arith.constant 0 : i32
      %scan3A_130 = arith.constant 0 : i32
      %scan3A_131 = arith.constant 6 : i32
      %scan3A_132 = arith.addi %scan3A_130, %scan3A_131 : i32
      %scan3A_133 = arith.constant 1 : i32
      %scan3A_134:5 = scf.for %scan3A_235 = %scan3A_130 to %scan3A_132 step %scan3A_133 iter_args(%scan3A_236 = %select_n3A_126, %scan3A_237 = %scan3A, %scan3A_238 = %scan3A_127, %scan3A_239 = %scan3A_128, %scan3A_240 = %scan3A_129) -> (i32, i32, i32, i32, i32)  : i32 {
        %eq3A_241 = arith.constant 0 : i32
        %eq3A_242 = arith.cmpi eq, %scan3A_235, %eq3A_241 : i32
        %eq3A_243 = arith.constant 5 : i32
        %eq3A_244 = arith.cmpi eq, %scan3A_235, %eq3A_243 : i32
        %add3A_245 = arith.addi %scan3A_239, %mul3A_16 : i32
        %add3A_246 = arith.constant 0 : i32
        %add3A_247 = arith.addi %scan3A_240, %add3A_246 : i32
        %sub3A_248 = arith.constant 1 : i32
        %sub3A_249 = arith.subi %scan3A_240, %sub3A_248 : i32
        %select_n3A_250 = arith.constant true
        %select_n3A_251 = arith.select %select_n3A_250, %sub3A_249, %scan3A_240 : i32
        %eq3A_252 = arith.constant -1 : i32
        %eq3A_253 = arith.cmpi eq, %select_n3A_251, %eq3A_252 : i32
        %select_n3A_254 = arith.constant 1 : i32
        %select_n3A_255 = arith.select %eq3A_253, %select_n3A_254, %select_n3A_251 : i32
        %sub3A_256 = arith.constant 1 : i32
        %sub3A_257 = arith.subi %scan3A_239, %sub3A_256 : i32
        %select_n3A_258 = arith.select %eq3A_253, %sub3A_257, %scan3A_239 : i32
        %eq3A_259 = arith.constant -1 : i32
        %eq3A_260 = arith.cmpi eq, %select_n3A_258, %eq3A_259 : i32
        %select_n3A_261 = arith.constant 2 : i32
        %select_n3A_262 = arith.select %eq3A_260, %select_n3A_261, %select_n3A_258 : i32
        %select_n3A_263 = arith.constant 0 : i32
        %select_n3A_264 = arith.constant -1 : i32
        %select_n3A_265 = arith.select %eq3A_260, %select_n3A_264, %select_n3A_263 : i32
        %eq3A_266 = arith.constant -1 : i32
        %eq3A_267 = arith.cmpi eq, %select_n3A_265, %eq3A_266 : i32
        %select_n3A_268 = arith.constant 0 : i32
        %select_n3A_269 = arith.select %eq3A_267, %select_n3A_268, %select_n3A_265 : i32
        %add3A_270 = arith.addi %select_n3A_262, %mul3A_16 : i32
        %add3A_271 = arith.constant 0 : i32
        %add3A_272 = arith.addi %select_n3A_255, %add3A_271 : i32
        %add3A_273 = arith.constant 1 : i32
        %add3A_274 = arith.addi %scan3A_240, %add3A_273 : i32
        %select_n3A_275 = arith.constant true
        %select_n3A_276 = arith.select %select_n3A_275, %add3A_274, %scan3A_240 : i32
        %eq3A_277 = arith.constant 2 : i32
        %eq3A_278 = arith.cmpi eq, %select_n3A_276, %eq3A_277 : i32
        %select_n3A_279 = arith.constant 0 : i32
        %select_n3A_280 = arith.select %eq3A_278, %select_n3A_279, %select_n3A_276 : i32
        %add3A_281 = arith.constant 1 : i32
        %add3A_282 = arith.addi %scan3A_239, %add3A_281 : i32
        %select_n3A_283 = arith.select %eq3A_278, %add3A_282, %scan3A_239 : i32
        %eq3A_284 = arith.constant 3 : i32
        %eq3A_285 = arith.cmpi eq, %select_n3A_283, %eq3A_284 : i32
        %select_n3A_286 = arith.constant 0 : i32
        %select_n3A_287 = arith.select %eq3A_285, %select_n3A_286, %select_n3A_283 : i32
        %select_n3A_288 = arith.constant 0 : i32
        %select_n3A_289 = arith.constant 1 : i32
        %select_n3A_290 = arith.select %eq3A_285, %select_n3A_289, %select_n3A_288 : i32
        %eq3A_291 = arith.constant 1 : i32
        %eq3A_292 = arith.cmpi eq, %select_n3A_290, %eq3A_291 : i32
        %select_n3A_293 = arith.constant 0 : i32
        %select_n3A_294 = arith.select %eq3A_292, %select_n3A_293, %select_n3A_290 : i32
        %add3A_295 = arith.addi %select_n3A_287, %mul3A_16 : i32
        %add3A_296 = arith.constant 0 : i32
        %add3A_297 = arith.addi %select_n3A_280, %add3A_296 : i32
        %add3A_298 = arith.constant 1 : i32
        %add3A_299 = arith.addi %select_n3A_280, %add3A_298 : i32
        %select_n3A_300 = arith.constant true
        %select_n3A_301 = arith.select %select_n3A_300, %add3A_299, %select_n3A_280 : i32
        %eq3A_302 = arith.constant 2 : i32
        %eq3A_303 = arith.cmpi eq, %select_n3A_301, %eq3A_302 : i32
        %select_n3A_304 = arith.constant 0 : i32
        %select_n3A_305 = arith.select %eq3A_303, %select_n3A_304, %select_n3A_301 : i32
        %add3A_306 = arith.constant 1 : i32
        %add3A_307 = arith.addi %select_n3A_287, %add3A_306 : i32
        %select_n3A_308 = arith.select %eq3A_303, %add3A_307, %select_n3A_287 : i32
        %eq3A_309 = arith.constant 3 : i32
        %eq3A_310 = arith.cmpi eq, %select_n3A_308, %eq3A_309 : i32
        %select_n3A_311 = arith.constant 0 : i32
        %select_n3A_312 = arith.select %eq3A_310, %select_n3A_311, %select_n3A_308 : i32
        %select_n3A_313 = arith.constant 0 : i32
        %select_n3A_314 = arith.constant 1 : i32
        %select_n3A_315 = arith.select %eq3A_310, %select_n3A_314, %select_n3A_313 : i32
        %eq3A_316 = arith.constant 1 : i32
        %eq3A_317 = arith.cmpi eq, %select_n3A_315, %eq3A_316 : i32
        %select_n3A_318 = arith.constant 0 : i32
        %select_n3A_319 = arith.select %eq3A_317, %select_n3A_318, %select_n3A_315 : i32
        %add3A_320 = arith.addi %select_n3A_312, %mul3A_16 : i32
        %add3A_321 = arith.constant 0 : i32
        %add3A_322 = arith.addi %select_n3A_305, %add3A_321 : i32
        %ne3A = arith.cmpi ne, %add3A_245, %add3A_295 : i32
        %ne3A_323 = arith.cmpi ne, %add3A_247, %add3A_297 : i32
        %or3A = arith.constant false
        %or3A_324 = arith.ori %or3A, %ne3A : i1
        %or3A_325 = arith.ori %or3A_324, %ne3A_323 : i1
        %or3A_326 = arith.constant false
        %or3A_327 = arith.ori %or3A_325, %or3A_326 : i1
        %ge3A = arith.constant 5 : i32
        %ge3A_328 = arith.cmpi sge, %scan3A_235, %ge3A : i32
        %not3A = arith.constant true
        %not3A_329 = arith.xori %ge3A_328, %not3A : i1
        %and3A = arith.andi %or3A_327, %not3A_329 : i1
        %convert_element_type3A = arith.extui %and3A : i1 to i32
        %cond3A = arith.constant 0 : i32
        %cond3A_330 = arith.cmpi ne, %convert_element_type3A, %cond3A : i32
        scf.if %cond3A_330 {
          "tpu.trace_start"() <{level = 10 : i32, message = "ep_copy_in"}> : () -> ()
          %rem3A_436 = arith.constant 2 : i32
          %rem3A_437 = arith.remui %scan3A_236, %rem3A_436 : i32
          %mul3A_438 = arith.constant 1 : i32
          %mul3A_439 = arith.muli %mul3A_438, %add3A_295 : i32
          %mul3A_440 = arith.constant 128 : i32
          %mul3A_441 = arith.muli %mul3A_440, %add3A_297 : i32
          %dma_start3A_442 = arith.constant 0 : i32
          %dma_start3A_443 = arith.constant 0 : i32
          %dma_start3A_444 = arith.constant 0 : i32
          %dma_start3A_445 = arith.constant 0 : i32
          %dma_start3A_446 = tpu.memref_slice %run_scoped3A[%rem3A_437, %dma_start3A_442, %dma_start3A_443, %dma_start3A_444, %dma_start3A_445] : memref<2x1x1x128x256xf32, #tpu.memory_space<vmem>> -> memref<1x1x1x128x256xf32, #tpu.memory_space<vmem>>
          %dma_start3A_447 = tpu.memref_squeeze %dma_start3A_446 : memref<1x1x1x128x256xf32, #tpu.memory_space<vmem>> -> memref<1x1x128x256xf32, #tpu.memory_space<vmem>>
          %dma_start3A_448 = arith.constant 0 : i32
          %dma_start3A_449 = arith.constant 0 : i32
          %dma_start3A_450 = tpu.memref_slice %arg2[%dma_start3A_448, %mul3A_439, %mul3A_441, %dma_start3A_449] : memref<4x96x256x256xf32, #tpu.memory_space<hbm>> -> memref<1x1x128x256xf32, #tpu.memory_space<hbm>>
          %dma_start3A_451 = tpu.memref_slice %run_scoped3A_20[%rem3A_437] : memref<2x!tpu.dma_semaphore, #tpu.memory_space<semaphore_mem>> -> memref<1x!tpu.dma_semaphore, #tpu.memory_space<semaphore_mem>>
          %dma_start3A_452 = tpu.memref_squeeze %dma_start3A_451 : memref<1x!tpu.dma_semaphore, #tpu.memory_space<semaphore_mem>> -> memref<!tpu.dma_semaphore, #tpu.memory_space<semaphore_mem>>
          %dma_start3A_453 = arith.constant 0 : i32
          %dma_start3A_454 = arith.constant 0 : i32
          %dma_start3A_455 = arith.constant 0 : i32
          %dma_start3A_456 = arith.constant 0 : i32
          %dma_start3A_457 = tpu.memref_slice %run_scoped3A[%rem3A_437, %dma_start3A_453, %dma_start3A_454, %dma_start3A_455, %dma_start3A_456] : memref<2x1x1x128x256xf32, #tpu.memory_space<vmem>> -> memref<1x1x1x128x256xf32, #tpu.memory_space<vmem>>
          %dma_start3A_458 = tpu.memref_squeeze %dma_start3A_457 : memref<1x1x1x128x256xf32, #tpu.memory_space<vmem>> -> memref<1x1x128x256xf32, #tpu.memory_space<vmem>>
          %dma_start3A_459 = arith.constant 0 : i32
          %dma_start3A_460 = arith.constant 0 : i32
          %dma_start3A_461 = tpu.memref_slice %arg2[%dma_start3A_459, %mul3A_439, %mul3A_441, %dma_start3A_460] : memref<4x96x256x256xf32, #tpu.memory_space<hbm>> -> memref<1x1x128x256xf32, #tpu.memory_space<hbm>>
          tpu.enqueue_dma source(%dma_start3A_461 : memref<1x1x128x256xf32, #tpu.memory_space<hbm>>) target(%dma_start3A_458 : memref<1x1x128x256xf32, #tpu.memory_space<vmem>>) target_semaphore(%dma_start3A_452 : memref<!tpu.dma_semaphore, #tpu.memory_space<semaphore_mem>>)
          "tpu.trace_stop"() : () -> ()
        } else {
        }
        %and3A_331 = arith.constant true
        %and3A_332 = arith.andi %and3A, %and3A_331 : i1
        %add3A_333 = arith.constant 1 : i32
        %add3A_334 = arith.addi %scan3A_236, %add3A_333 : i32
        %select_n3A_335 = arith.select %and3A_332, %add3A_334, %scan3A_236 : i32
        %ne3A_336 = arith.cmpi ne, %add3A_245, %add3A_270 : i32
        %ne3A_337 = arith.cmpi ne, %add3A_247, %add3A_272 : i32
        %or3A_338 = arith.constant false
        %or3A_339 = arith.ori %or3A_338, %ne3A_336 : i1
        %or3A_340 = arith.ori %or3A_339, %ne3A_337 : i1
        %or3A_341 = arith.constant false
        %or3A_342 = arith.ori %or3A_340, %or3A_341 : i1
        %or3A_343 = arith.ori %or3A_342, %eq3A_242 : i1
        %convert_element_type3A_344 = arith.extui %or3A_343 : i1 to i32
        %cond3A_345 = arith.constant 0 : i32
        %cond3A_346 = arith.cmpi ne, %convert_element_type3A_344, %cond3A_345 : i32
        scf.if %cond3A_346 {
          "tpu.trace_start"() <{level = 10 : i32, message = "ep_wait_in"}> : () -> ()
          %mul3A_436 = arith.constant 1 : i32
          %mul3A_437 = arith.muli %mul3A_436, %add3A_245 : i32
          %mul3A_438 = arith.constant 128 : i32
          %mul3A_439 = arith.muli %mul3A_438, %add3A_247 : i32
          %rem3A_440 = arith.constant 2 : i32
          %rem3A_441 = arith.remui %scan3A_237, %rem3A_440 : i32
          %dma_wait3A = arith.constant 0 : i32
          %dma_wait3A_442 = arith.constant 0 : i32
          %dma_wait3A_443 = arith.constant 0 : i32
          %dma_wait3A_444 = arith.constant 0 : i32
          %dma_wait3A_445 = tpu.memref_slice %run_scoped3A[%rem3A_441, %dma_wait3A, %dma_wait3A_442, %dma_wait3A_443, %dma_wait3A_444] : memref<2x1x1x128x256xf32, #tpu.memory_space<vmem>> -> memref<1x1x1x128x256xf32, #tpu.memory_space<vmem>>
          %dma_wait3A_446 = tpu.memref_squeeze %dma_wait3A_445 : memref<1x1x1x128x256xf32, #tpu.memory_space<vmem>> -> memref<1x1x128x256xf32, #tpu.memory_space<vmem>>
          %dma_wait3A_447 = arith.constant 0 : i32
          %dma_wait3A_448 = arith.constant 0 : i32
          %dma_wait3A_449 = tpu.memref_slice %arg2[%dma_wait3A_447, %mul3A_437, %mul3A_439, %dma_wait3A_448] : memref<4x96x256x256xf32, #tpu.memory_space<hbm>> -> memref<1x1x128x256xf32, #tpu.memory_space<hbm>>
          %dma_wait3A_450 = tpu.memref_slice %run_scoped3A_20[%rem3A_441] : memref<2x!tpu.dma_semaphore, #tpu.memory_space<semaphore_mem>> -> memref<1x!tpu.dma_semaphore, #tpu.memory_space<semaphore_mem>>
          %dma_wait3A_451 = tpu.memref_squeeze %dma_wait3A_450 : memref<1x!tpu.dma_semaphore, #tpu.memory_space<semaphore_mem>> -> memref<!tpu.dma_semaphore, #tpu.memory_space<semaphore_mem>>
          %dma_wait3A_452 = arith.constant 0 : i32
          %dma_wait3A_453 = arith.constant 0 : i32
          %dma_wait3A_454 = arith.constant 0 : i32
          %dma_wait3A_455 = arith.constant 0 : i32
          %dma_wait3A_456 = tpu.memref_slice %run_scoped3A[%rem3A_441, %dma_wait3A_452, %dma_wait3A_453, %dma_wait3A_454, %dma_wait3A_455] : memref<2x1x1x128x256xf32, #tpu.memory_space<vmem>> -> memref<1x1x1x128x256xf32, #tpu.memory_space<vmem>>
          %dma_wait3A_457 = tpu.memref_squeeze %dma_wait3A_456 : memref<1x1x1x128x256xf32, #tpu.memory_space<vmem>> -> memref<1x1x128x256xf32, #tpu.memory_space<vmem>>
          %dma_wait3A_458 = arith.constant 0 : i32
          %dma_wait3A_459 = arith.constant 0 : i32
          %dma_wait3A_460 = tpu.memref_slice %arg2[%dma_wait3A_458, %mul3A_437, %mul3A_439, %dma_wait3A_459] : memref<4x96x256x256xf32, #tpu.memory_space<hbm>> -> memref<1x1x128x256xf32, #tpu.memory_space<hbm>>
          tpu.wait_dma2 semaphore(%dma_wait3A_451 : memref<!tpu.dma_semaphore, #tpu.memory_space<semaphore_mem>>) src(%dma_wait3A_460 : memref<1x1x128x256xf32, #tpu.memory_space<hbm>>) dst(%dma_wait3A_457 : memref<1x1x128x256xf32, #tpu.memory_space<vmem>>)
          "tpu.trace_stop"() : () -> ()
        } else {
        }
        %rem3A_347 = arith.constant 2 : i32
        %rem3A_348 = arith.remui %scan3A_237, %rem3A_347 : i32
        "tpu.trace_start"() <{level = 10 : i32, message = "ep_run_kernel"}> : () -> ()
        %get3A = arith.constant 0 : index
        %get3A_349 = tpu.vector_load %arg5[%get3A] {strides = array<i32>} : memref<16xf32, #tpu.memory_space<vmem>>, vector<16xf32>,
        %get3A_350 = vector.shape_cast %get3A_349 : vector<16xf32> to vector<16xf32>
        %get3A_351 = arith.constant 0 : index
        %get3A_352 = tpu.vector_load %arg6[%get3A_351] {strides = array<i32>} : memref<16xf32, #tpu.memory_space<vmem>>, vector<16xf32>,
        %get3A_353 = vector.shape_cast %get3A_352 : vector<16xf32> to vector<16xf32>
        %get3A_354 = arith.constant 0 : index
        %get3A_355 = tpu.vector_load %arg5[%get3A_354] {strides = array<i32>} : memref<16xf32, #tpu.memory_space<vmem>>, vector<16xf32>,
        %get3A_356 = vector.shape_cast %get3A_355 : vector<16xf32> to vector<16xf32>
        %get3A_357 = arith.constant 0 : index
        %get3A_358 = tpu.vector_load %arg6[%get3A_357] {strides = array<i32>} : memref<16xf32, #tpu.memory_space<vmem>>, vector<16xf32>,
        %get3A_359 = vector.shape_cast %get3A_358 : vector<16xf32> to vector<16xf32>
        %scan3A_360 = arith.constant 0 : i32
        %scan3A_361 = arith.constant 128 : i32
        %scan3A_362 = arith.addi %scan3A_360, %scan3A_361 : i32
        %scan3A_363 = arith.constant 1 : i32
        %scan3A_364:4 = scf.for %scan3A_436 = %scan3A_360 to %scan3A_362 step %scan3A_363 iter_args(%scan3A_437 = %get3A_350, %scan3A_438 = %get3A_353, %scan3A_439 = %get3A_356, %scan3A_440 = %get3A_359) -> (vector<16xf32>, vector<16xf32>, vector<16xf32>, vector<16xf32>)  : i32 {
          %get3A_441 = arith.constant 0 : i32
          %get3A_442 = arith.constant 0 : i32
          %get3A_443 = arith.constant 0 : i32
          %get3A_444 = arith.constant 0 : i32
          %get3A_445 = arith.constant 0 : i32
          %get3A_446 = arith.constant 0 : i32
          %get3A_447 = tpu.memref_slice %run_scoped3A[%rem3A_348, %get3A_443, %get3A_444, %get3A_445, %get3A_446] : memref<2x1x1x128x256xf32, #tpu.memory_space<vmem>> -> memref<1x1x1x128x256xf32, #tpu.memory_space<vmem>>
          %get3A_448 = tpu.memref_squeeze %get3A_447 : memref<1x1x1x128x256xf32, #tpu.memory_space<vmem>> -> memref<1x1x128x256xf32, #tpu.memory_space<vmem>>
          %get3A_449 = arith.index_cast %get3A_441 : i32 to index
          %get3A_450 = arith.index_cast %get3A_442 : i32 to index
          %get3A_451 = arith.index_cast %scan3A_436 : i32 to index
          %get3A_452 = arith.constant 0 : index
          %get3A_453 = tpu.vector_load %get3A_448[%get3A_449, %get3A_450, %get3A_451, %get3A_452] {strides = array<i32>} : memref<1x1x128x256xf32, #tpu.memory_space<vmem>>, vector<1x1x1x16xf32>,
          %get3A_454 = vector.shape_cast %get3A_453 : vector<1x1x1x16xf32> to vector<16xf32>
          %get3A_455 = arith.constant 0 : i32
          %get3A_456 = arith.constant 0 : i32
          %get3A_457 = arith.constant 0 : i32
          %get3A_458 = arith.constant 0 : i32
          %get3A_459 = arith.constant 0 : i32
          %get3A_460 = arith.constant 0 : i32
          %get3A_461 = tpu.memref_slice %run_scoped3A[%rem3A_348, %get3A_457, %get3A_458, %get3A_459, %get3A_460] : memref<2x1x1x128x256xf32, #tpu.memory_space<vmem>> -> memref<1x1x1x128x256xf32, #tpu.memory_space<vmem>>
          %get3A_462 = tpu.memref_squeeze %get3A_461 : memref<1x1x1x128x256xf32, #tpu.memory_space<vmem>> -> memref<1x1x128x256xf32, #tpu.memory_space<vmem>>
          %get3A_463 = arith.index_cast %get3A_455 : i32 to index
          %get3A_464 = arith.index_cast %get3A_456 : i32 to index
          %get3A_465 = arith.index_cast %scan3A_436 : i32 to index
          %get3A_466 = arith.constant 16 : index
          %get3A_467 = tpu.vector_load %get3A_462[%get3A_463, %get3A_464, %get3A_465, %get3A_466] {strides = array<i32>} : memref<1x1x128x256xf32, #tpu.memory_space<vmem>>, vector<1x1x1x16xf32>,
          %get3A_468 = vector.shape_cast %get3A_467 : vector<1x1x1x16xf32> to vector<16xf32>
          %min3A_469 = arith.minimumf %scan3A_437, %get3A_454 : vector<16xf32>
          %max3A_470 = arith.maximumf %scan3A_438, %get3A_454 : vector<16xf32>
          %min3A_471 = arith.minimumf %scan3A_439, %get3A_468 : vector<16xf32>
          %max3A_472 = arith.maximumf %scan3A_440, %get3A_468 : vector<16xf32>
          %get3A_473 = arith.constant 0 : i32
          %get3A_474 = arith.constant 0 : i32
          %get3A_475 = arith.constant 0 : i32
          %get3A_476 = arith.constant 0 : i32
          %get3A_477 = arith.constant 0 : i32
          %get3A_478 = arith.constant 0 : i32
          %get3A_479 = tpu.memref_slice %run_scoped3A[%rem3A_348, %get3A_475, %get3A_476, %get3A_477, %get3A_478] : memref<2x1x1x128x256xf32, #tpu.memory_space<vmem>> -> memref<1x1x1x128x256xf32, #tpu.memory_space<vmem>>
          %get3A_480 = tpu.memref_squeeze %get3A_479 : memref<1x1x1x128x256xf32, #tpu.memory_space<vmem>> -> memref<1x1x128x256xf32, #tpu.memory_space<vmem>>
          %get3A_481 = arith.index_cast %get3A_473 : i32 to index
          %get3A_482 = arith.index_cast %get3A_474 : i32 to index
          %get3A_483 = arith.index_cast %scan3A_436 : i32 to index
          %get3A_484 = arith.constant 32 : index
          %get3A_485 = tpu.vector_load %get3A_480[%get3A_481, %get3A_482, %get3A_483, %get3A_484] {strides = array<i32>} : memref<1x1x128x256xf32, #tpu.memory_space<vmem>>, vector<1x1x1x16xf32>,
          %get3A_486 = vector.shape_cast %get3A_485 : vector<1x1x1x16xf32> to vector<16xf32>
          %get3A_487 = arith.constant 0 : i32
          %get3A_488 = arith.constant 0 : i32
          %get3A_489 = arith.constant 0 : i32
          %get3A_490 = arith.constant 0 : i32
          %get3A_491 = arith.constant 0 : i32
          %get3A_492 = arith.constant 0 : i32
          %get3A_493 = tpu.memref_slice %run_scoped3A[%rem3A_348, %get3A_489, %get3A_490, %get3A_491, %get3A_492] : memref<2x1x1x128x256xf32, #tpu.memory_space<vmem>> -> memref<1x1x1x128x256xf32, #tpu.memory_space<vmem>>
          %get3A_494 = tpu.memref_squeeze %get3A_493 : memref<1x1x1x128x256xf32, #tpu.memory_space<vmem>> -> memref<1x1x128x256xf32, #tpu.memory_space<vmem>>
          %get3A_495 = arith.index_cast %get3A_487 : i32 to index
          %get3A_496 = arith.index_cast %get3A_488 : i32 to index
          %get3A_497 = arith.index_cast %scan3A_436 : i32 to index
          %get3A_498 = arith.constant 48 : index
          %get3A_499 = tpu.vector_load %get3A_494[%get3A_495, %get3A_496, %get3A_497, %get3A_498] {strides = array<i32>} : memref<1x1x128x256xf32, #tpu.memory_space<vmem>>, vector<1x1x1x16xf32>,
          %get3A_500 = vector.shape_cast %get3A_499 : vector<1x1x1x16xf32> to vector<16xf32>
          %min3A_501 = arith.minimumf %min3A_469, %get3A_486 : vector<16xf32>
          %max3A_502 = arith.maximumf %max3A_470, %get3A_486 : vector<16xf32>
          %min3A_503 = arith.minimumf %min3A_471, %get3A_500 : vector<16xf32>
          %max3A_504 = arith.maximumf %max3A_472, %get3A_500 : vector<16xf32>
          %get3A_505 = arith.constant 0 : i32
          %get3A_506 = arith.constant 0 : i32
          %get3A_507 = arith.constant 0 : i32
          %get3A_508 = arith.constant 0 : i32
          %get3A_509 = arith.constant 0 : i32
          %get3A_510 = arith.constant 0 : i32
          %get3A_511 = tpu.memref_slice %run_scoped3A[%rem3A_348, %get3A_507, %get3A_508, %get3A_509, %get3A_510] : memref<2x1x1x128x256xf32, #tpu.memory_space<vmem>> -> memref<1x1x1x128x256xf32, #tpu.memory_space<vmem>>
          %get3A_512 = tpu.memref_squeeze %get3A_511 : memref<1x1x1x128x256xf32, #tpu.memory_space<vmem>> -> memref<1x1x128x256xf32, #tpu.memory_space<vmem>>
          %get3A_513 = arith.index_cast %get3A_505 : i32 to index
          %get3A_514 = arith.index_cast %get3A_506 : i32 to index
          %get3A_515 = arith.index_cast %scan3A_436 : i32 to index
          %get3A_516 = arith.constant 64 : index
          %get3A_517 = tpu.vector_load %get3A_512[%get3A_513, %get3A_514, %get3A_515, %get3A_516] {strides = array<i32>} : memref<1x1x128x256xf32, #tpu.memory_space<vmem>>, vector<1x1x1x16xf32>,
          %get3A_518 = vector.shape_cast %get3A_517 : vector<1x1x1x16xf32> to vector<16xf32>
          %get3A_519 = arith.constant 0 : i32
          %get3A_520 = arith.constant 0 : i32
          %get3A_521 = arith.constant 0 : i32
          %get3A_522 = arith.constant 0 : i32
          %get3A_523 = arith.constant 0 : i32
          %get3A_524 = arith.constant 0 : i32
          %get3A_525 = tpu.memref_slice %run_scoped3A[%rem3A_348, %get3A_521, %get3A_522, %get3A_523, %get3A_524] : memref<2x1x1x128x256xf32, #tpu.memory_space<vmem>> -> memref<1x1x1x128x256xf32, #tpu.memory_space<vmem>>
          %get3A_526 = tpu.memref_squeeze %get3A_525 : memref<1x1x1x128x256xf32, #tpu.memory_space<vmem>> -> memref<1x1x128x256xf32, #tpu.memory_space<vmem>>
          %get3A_527 = arith.index_cast %get3A_519 : i32 to index
          %get3A_528 = arith.index_cast %get3A_520 : i32 to index
          %get3A_529 = arith.index_cast %scan3A_436 : i32 to index
          %get3A_530 = arith.constant 80 : index
          %get3A_531 = tpu.vector_load %get3A_526[%get3A_527, %get3A_528, %get3A_529, %get3A_530] {strides = array<i32>} : memref<1x1x128x256xf32, #tpu.memory_space<vmem>>, vector<1x1x1x16xf32>,
          %get3A_532 = vector.shape_cast %get3A_531 : vector<1x1x1x16xf32> to vector<16xf32>
          %min3A_533 = arith.minimumf %min3A_501, %get3A_518 : vector<16xf32>
          %max3A_534 = arith.maximumf %max3A_502, %get3A_518 : vector<16xf32>
          %min3A_535 = arith.minimumf %min3A_503, %get3A_532 : vector<16xf32>
          %max3A_536 = arith.maximumf %max3A_504, %get3A_532 : vector<16xf32>
          %get3A_537 = arith.constant 0 : i32
          %get3A_538 = arith.constant 0 : i32
          %get3A_539 = arith.constant 0 : i32
          %get3A_540 = arith.constant 0 : i32
          %get3A_541 = arith.constant 0 : i32
          %get3A_542 = arith.constant 0 : i32
          %get3A_543 = tpu.memref_slice %run_scoped3A[%rem3A_348, %get3A_539, %get3A_540, %get3A_541, %get3A_542] : memref<2x1x1x128x256xf32, #tpu.memory_space<vmem>> -> memref<1x1x1x128x256xf32, #tpu.memory_space<vmem>>
          %get3A_544 = tpu.memref_squeeze %get3A_543 : memref<1x1x1x128x256xf32, #tpu.memory_space<vmem>> -> memref<1x1x128x256xf32, #tpu.memory_space<vmem>>
          %get3A_545 = arith.index_cast %get3A_537 : i32 to index
          %get3A_546 = arith.index_cast %get3A_538 : i32 to index
          %get3A_547 = arith.index_cast %scan3A_436 : i32 to index
          %get3A_548 = arith.constant 96 : index
          %get3A_549 = tpu.vector_load %get3A_544[%get3A_545, %get3A_546, %get3A_547, %get3A_548] {strides = array<i32>} : memref<1x1x128x256xf32, #tpu.memory_space<vmem>>, vector<1x1x1x16xf32>,
          %get3A_550 = vector.shape_cast %get3A_549 : vector<1x1x1x16xf32> to vector<16xf32>
          %get3A_551 = arith.constant 0 : i32
          %get3A_552 = arith.constant 0 : i32
          %get3A_553 = arith.constant 0 : i32
          %get3A_554 = arith.constant 0 : i32
          %get3A_555 = arith.constant 0 : i32
          %get3A_556 = arith.constant 0 : i32
          %get3A_557 = tpu.memref_slice %run_scoped3A[%rem3A_348, %get3A_553, %get3A_554, %get3A_555, %get3A_556] : memref<2x1x1x128x256xf32, #tpu.memory_space<vmem>> -> memref<1x1x1x128x256xf32, #tpu.memory_space<vmem>>
          %get3A_558 = tpu.memref_squeeze %get3A_557 : memref<1x1x1x128x256xf32, #tpu.memory_space<vmem>> -> memref<1x1x128x256xf32, #tpu.memory_space<vmem>>
          %get3A_559 = arith.index_cast %get3A_551 : i32 to index
          %get3A_560 = arith.index_cast %get3A_552 : i32 to index
          %get3A_561 = arith.index_cast %scan3A_436 : i32 to index
          %get3A_562 = arith.constant 112 : index
          %get3A_563 = tpu.vector_load %get3A_558[%get3A_559, %get3A_560, %get3A_561, %get3A_562] {strides = array<i32>} : memref<1x1x128x256xf32, #tpu.memory_space<vmem>>, vector<1x1x1x16xf32>,
          %get3A_564 = vector.shape_cast %get3A_563 : vector<1x1x1x16xf32> to vector<16xf32>
          %min3A_565 = arith.minimumf %min3A_533, %get3A_550 : vector<16xf32>
          %max3A_566 = arith.maximumf %max3A_534, %get3A_550 : vector<16xf32>
          %min3A_567 = arith.minimumf %min3A_535, %get3A_564 : vector<16xf32>
          %max3A_568 = arith.maximumf %max3A_536, %get3A_564 : vector<16xf32>
          %get3A_569 = arith.constant 0 : i32
          %get3A_570 = arith.constant 0 : i32
          %get3A_571 = arith.constant 0 : i32
          %get3A_572 = arith.constant 0 : i32
          %get3A_573 = arith.constant 0 : i32
          %get3A_574 = arith.constant 0 : i32
          %get3A_575 = tpu.memref_slice %run_scoped3A[%rem3A_348, %get3A_571, %get3A_572, %get3A_573, %get3A_574] : memref<2x1x1x128x256xf32, #tpu.memory_space<vmem>> -> memref<1x1x1x128x256xf32, #tpu.memory_space<vmem>>
          %get3A_576 = tpu.memref_squeeze %get3A_575 : memref<1x1x1x128x256xf32, #tpu.memory_space<vmem>> -> memref<1x1x128x256xf32, #tpu.memory_space<vmem>>
          %get3A_577 = arith.index_cast %get3A_569 : i32 to index
          %get3A_578 = arith.index_cast %get3A_570 : i32 to index
          %get3A_579 = arith.index_cast %scan3A_436 : i32 to index
          %get3A_580 = arith.constant 128 : index
          %get3A_581 = tpu.vector_load %get3A_576[%get3A_577, %get3A_578, %get3A_579, %get3A_580] {strides = array<i32>} : memref<1x1x128x256xf32, #tpu.memory_space<vmem>>, vector<1x1x1x16xf32>,
          %get3A_582 = vector.shape_cast %get3A_581 : vector<1x1x1x16xf32> to vector<16xf32>
          %get3A_583 = arith.constant 0 : i32
          %get3A_584 = arith.constant 0 : i32
          %get3A_585 = arith.constant 0 : i32
          %get3A_586 = arith.constant 0 : i32
          %get3A_587 = arith.constant 0 : i32
          %get3A_588 = arith.constant 0 : i32
          %get3A_589 = tpu.memref_slice %run_scoped3A[%rem3A_348, %get3A_585, %get3A_586, %get3A_587, %get3A_588] : memref<2x1x1x128x256xf32, #tpu.memory_space<vmem>> -> memref<1x1x1x128x256xf32, #tpu.memory_space<vmem>>
          %get3A_590 = tpu.memref_squeeze %get3A_589 : memref<1x1x1x128x256xf32, #tpu.memory_space<vmem>> -> memref<1x1x128x256xf32, #tpu.memory_space<vmem>>
          %get3A_591 = arith.index_cast %get3A_583 : i32 to index
          %get3A_592 = arith.index_cast %get3A_584 : i32 to index
          %get3A_593 = arith.index_cast %scan3A_436 : i32 to index
          %get3A_594 = arith.constant 144 : index
          %get3A_595 = tpu.vector_load %get3A_590[%get3A_591, %get3A_592, %get3A_593, %get3A_594] {strides = array<i32>} : memref<1x1x128x256xf32, #tpu.memory_space<vmem>>, vector<1x1x1x16xf32>,
          %get3A_596 = vector.shape_cast %get3A_595 : vector<1x1x1x16xf32> to vector<16xf32>
          %min3A_597 = arith.minimumf %min3A_565, %get3A_582 : vector<16xf32>
          %max3A_598 = arith.maximumf %max3A_566, %get3A_582 : vector<16xf32>
          %min3A_599 = arith.minimumf %min3A_567, %get3A_596 : vector<16xf32>
          %max3A_600 = arith.maximumf %max3A_568, %get3A_596 : vector<16xf32>
          %get3A_601 = arith.constant 0 : i32
          %get3A_602 = arith.constant 0 : i32
          %get3A_603 = arith.constant 0 : i32
          %get3A_604 = arith.constant 0 : i32
          %get3A_605 = arith.constant 0 : i32
          %get3A_606 = arith.constant 0 : i32
          %get3A_607 = tpu.memref_slice %run_scoped3A[%rem3A_348, %get3A_603, %get3A_604, %get3A_605, %get3A_606] : memref<2x1x1x128x256xf32, #tpu.memory_space<vmem>> -> memref<1x1x1x128x256xf32, #tpu.memory_space<vmem>>
          %get3A_608 = tpu.memref_squeeze %get3A_607 : memref<1x1x1x128x256xf32, #tpu.memory_space<vmem>> -> memref<1x1x128x256xf32, #tpu.memory_space<vmem>>
          %get3A_609 = arith.index_cast %get3A_601 : i32 to index
          %get3A_610 = arith.index_cast %get3A_602 : i32 to index
          %get3A_611 = arith.index_cast %scan3A_436 : i32 to index
          %get3A_612 = arith.constant 160 : index
          %get3A_613 = tpu.vector_load %get3A_608[%get3A_609, %get3A_610, %get3A_611, %get3A_612] {strides = array<i32>} : memref<1x1x128x256xf32, #tpu.memory_space<vmem>>, vector<1x1x1x16xf32>,
          %get3A_614 = vector.shape_cast %get3A_613 : vector<1x1x1x16xf32> to vector<16xf32>
          %get3A_615 = arith.constant 0 : i32
          %get3A_616 = arith.constant 0 : i32
          %get3A_617 = arith.constant 0 : i32
          %get3A_618 = arith.constant 0 : i32
          %get3A_619 = arith.constant 0 : i32
          %get3A_620 = arith.constant 0 : i32
          %get3A_621 = tpu.memref_slice %run_scoped3A[%rem3A_348, %get3A_617, %get3A_618, %get3A_619, %get3A_620] : memref<2x1x1x128x256xf32, #tpu.memory_space<vmem>> -> memref<1x1x1x128x256xf32, #tpu.memory_space<vmem>>
          %get3A_622 = tpu.memref_squeeze %get3A_621 : memref<1x1x1x128x256xf32, #tpu.memory_space<vmem>> -> memref<1x1x128x256xf32, #tpu.memory_space<vmem>>
          %get3A_623 = arith.index_cast %get3A_615 : i32 to index
          %get3A_624 = arith.index_cast %get3A_616 : i32 to index
          %get3A_625 = arith.index_cast %scan3A_436 : i32 to index
          %get3A_626 = arith.constant 176 : index
          %get3A_627 = tpu.vector_load %get3A_622[%get3A_623, %get3A_624, %get3A_625, %get3A_626] {strides = array<i32>} : memref<1x1x128x256xf32, #tpu.memory_space<vmem>>, vector<1x1x1x16xf32>,
          %get3A_628 = vector.shape_cast %get3A_627 : vector<1x1x1x16xf32> to vector<16xf32>
          %min3A_629 = arith.minimumf %min3A_597, %get3A_614 : vector<16xf32>
          %max3A_630 = arith.maximumf %max3A_598, %get3A_614 : vector<16xf32>
          %min3A_631 = arith.minimumf %min3A_599, %get3A_628 : vector<16xf32>
          %max3A_632 = arith.maximumf %max3A_600, %get3A_628 : vector<16xf32>
          %get3A_633 = arith.constant 0 : i32
          %get3A_634 = arith.constant 0 : i32
          %get3A_635 = arith.constant 0 : i32
          %get3A_636 = arith.constant 0 : i32
          %get3A_637 = arith.constant 0 : i32
          %get3A_638 = arith.constant 0 : i32
          %get3A_639 = tpu.memref_slice %run_scoped3A[%rem3A_348, %get3A_635, %get3A_636, %get3A_637, %get3A_638] : memref<2x1x1x128x256xf32, #tpu.memory_space<vmem>> -> memref<1x1x1x128x256xf32, #tpu.memory_space<vmem>>
          %get3A_640 = tpu.memref_squeeze %get3A_639 : memref<1x1x1x128x256xf32, #tpu.memory_space<vmem>> -> memref<1x1x128x256xf32, #tpu.memory_space<vmem>>
          %get3A_641 = arith.index_cast %get3A_633 : i32 to index
          %get3A_642 = arith.index_cast %get3A_634 : i32 to index
          %get3A_643 = arith.index_cast %scan3A_436 : i32 to index
          %get3A_644 = arith.constant 192 : index
          %get3A_645 = tpu.vector_load %get3A_640[%get3A_641, %get3A_642, %get3A_643, %get3A_644] {strides = array<i32>} : memref<1x1x128x256xf32, #tpu.memory_space<vmem>>, vector<1x1x1x16xf32>,
          %get3A_646 = vector.shape_cast %get3A_645 : vector<1x1x1x16xf32> to vector<16xf32>
          %get3A_647 = arith.constant 0 : i32
          %get3A_648 = arith.constant 0 : i32
          %get3A_649 = arith.constant 0 : i32
          %get3A_650 = arith.constant 0 : i32
          %get3A_651 = arith.constant 0 : i32
          %get3A_652 = arith.constant 0 : i32
          %get3A_653 = tpu.memref_slice %run_scoped3A[%rem3A_348, %get3A_649, %get3A_650, %get3A_651, %get3A_652] : memref<2x1x1x128x256xf32, #tpu.memory_space<vmem>> -> memref<1x1x1x128x256xf32, #tpu.memory_space<vmem>>
          %get3A_654 = tpu.memref_squeeze %get3A_653 : memref<1x1x1x128x256xf32, #tpu.memory_space<vmem>> -> memref<1x1x128x256xf32, #tpu.memory_space<vmem>>
          %get3A_655 = arith.index_cast %get3A_647 : i32 to index
          %get3A_656 = arith.index_cast %get3A_648 : i32 to index
          %get3A_657 = arith.index_cast %scan3A_436 : i32 to index
          %get3A_658 = arith.constant 208 : index
          %get3A_659 = tpu.vector_load %get3A_654[%get3A_655, %get3A_656, %get3A_657, %get3A_658] {strides = array<i32>} : memref<1x1x128x256xf32, #tpu.memory_space<vmem>>, vector<1x1x1x16xf32>,
          %get3A_660 = vector.shape_cast %get3A_659 : vector<1x1x1x16xf32> to vector<16xf32>
          %min3A_661 = arith.minimumf %min3A_629, %get3A_646 : vector<16xf32>
          %max3A_662 = arith.maximumf %max3A_630, %get3A_646 : vector<16xf32>
          %min3A_663 = arith.minimumf %min3A_631, %get3A_660 : vector<16xf32>
          %max3A_664 = arith.maximumf %max3A_632, %get3A_660 : vector<16xf32>
          %get3A_665 = arith.constant 0 : i32
          %get3A_666 = arith.constant 0 : i32
          %get3A_667 = arith.constant 0 : i32
          %get3A_668 = arith.constant 0 : i32
          %get3A_669 = arith.constant 0 : i32
          %get3A_670 = arith.constant 0 : i32
          %get3A_671 = tpu.memref_slice %run_scoped3A[%rem3A_348, %get3A_667, %get3A_668, %get3A_669, %get3A_670] : memref<2x1x1x128x256xf32, #tpu.memory_space<vmem>> -> memref<1x1x1x128x256xf32, #tpu.memory_space<vmem>>
          %get3A_672 = tpu.memref_squeeze %get3A_671 : memref<1x1x1x128x256xf32, #tpu.memory_space<vmem>> -> memref<1x1x128x256xf32, #tpu.memory_space<vmem>>
          %get3A_673 = arith.index_cast %get3A_665 : i32 to index
          %get3A_674 = arith.index_cast %get3A_666 : i32 to index
          %get3A_675 = arith.index_cast %scan3A_436 : i32 to index
          %get3A_676 = arith.constant 224 : index
          %get3A_677 = tpu.vector_load %get3A_672[%get3A_673, %get3A_674, %get3A_675, %get3A_676] {strides = array<i32>} : memref<1x1x128x256xf32, #tpu.memory_space<vmem>>, vector<1x1x1x16xf32>,
          %get3A_678 = vector.shape_cast %get3A_677 : vector<1x1x1x16xf32> to vector<16xf32>
          %get3A_679 = arith.constant 0 : i32
          %get3A_680 = arith.constant 0 : i32
          %get3A_681 = arith.constant 0 : i32
          %get3A_682 = arith.constant 0 : i32
          %get3A_683 = arith.constant 0 : i32
          %get3A_684 = arith.constant 0 : i32
          %get3A_685 = tpu.memref_slice %run_scoped3A[%rem3A_348, %get3A_681, %get3A_682, %get3A_683, %get3A_684] : memref<2x1x1x128x256xf32, #tpu.memory_space<vmem>> -> memref<1x1x1x128x256xf32, #tpu.memory_space<vmem>>
          %get3A_686 = tpu.memref_squeeze %get3A_685 : memref<1x1x1x128x256xf32, #tpu.memory_space<vmem>> -> memref<1x1x128x256xf32, #tpu.memory_space<vmem>>
          %get3A_687 = arith.index_cast %get3A_679 : i32 to index
          %get3A_688 = arith.index_cast %get3A_680 : i32 to index
          %get3A_689 = arith.index_cast %scan3A_436 : i32 to index
          %get3A_690 = arith.constant 240 : index
          %get3A_691 = tpu.vector_load %get3A_686[%get3A_687, %get3A_688, %get3A_689, %get3A_690] {strides = array<i32>} : memref<1x1x128x256xf32, #tpu.memory_space<vmem>>, vector<1x1x1x16xf32>,
          %get3A_692 = vector.shape_cast %get3A_691 : vector<1x1x1x16xf32> to vector<16xf32>
          %min3A_693 = arith.minimumf %min3A_661, %get3A_678 : vector<16xf32>
          %max3A_694 = arith.maximumf %max3A_662, %get3A_678 : vector<16xf32>
          %min3A_695 = arith.minimumf %min3A_663, %get3A_692 : vector<16xf32>
          %max3A_696 = arith.maximumf %max3A_664, %get3A_692 : vector<16xf32>
          scf.yield %min3A_693, %max3A_694, %min3A_695, %max3A_696 : vector<16xf32>, vector<16xf32>, vector<16xf32>, vector<16xf32>
        }
        %scan3A_365 = arith.constant 128 : i32
        %min3A = arith.minimumf %scan3A_364#0, %scan3A_364#2 : vector<16xf32>
        %swap3A_366 = arith.constant 0 : index
        %swap3A_367 = tpu.vector_load %arg5[%swap3A_366] {strides = array<i32>} : memref<16xf32, #tpu.memory_space<vmem>>, vector<16xf32>,
        %swap3A_368 = vector.shape_cast %swap3A_367 : vector<16xf32> to vector<16xf32>
        %swap3A_369 = vector.shape_cast %min3A : vector<16xf32> to vector<16xf32>
        tpu.vector_store %arg5[%swap3A_366], %swap3A_369 {strides = array<i32>} : memref<16xf32, #tpu.memory_space<vmem>>, vector<16xf32>,
        %max3A = arith.maximumf %scan3A_364#1, %scan3A_364#3 : vector<16xf32>
        %swap3A_370 = arith.constant 0 : index
        %swap3A_371 = tpu.vector_load %arg6[%swap3A_370] {strides = array<i32>} : memref<16xf32, #tpu.memory_space<vmem>>, vector<16xf32>,
        %swap3A_372 = vector.shape_cast %swap3A_371 : vector<16xf32> to vector<16xf32>
        %swap3A_373 = vector.shape_cast %max3A : vector<16xf32> to vector<16xf32>
        tpu.vector_store %arg6[%swap3A_370], %swap3A_373 {strides = array<i32>} : memref<16xf32, #tpu.memory_space<vmem>>, vector<16xf32>,
        "tpu.trace_stop"() : () -> ()
        %ne3A_374 = arith.cmpi ne, %add3A_245, %add3A_295 : i32
        %ne3A_375 = arith.cmpi ne, %add3A_247, %add3A_297 : i32
        %or3A_376 = arith.constant false
        %or3A_377 = arith.ori %or3A_376, %ne3A_374 : i1
        %or3A_378 = arith.ori %or3A_377, %ne3A_375 : i1
        %or3A_379 = arith.constant false
        %or3A_380 = arith.ori %or3A_378, %or3A_379 : i1
        %or3A_381 = arith.ori %or3A_380, %eq3A_244 : i1
        %convert_element_type3A_382 = arith.extui %or3A_381 : i1 to i32
        %cond3A_383 = arith.constant 0 : i32
        %cond3A_384 = arith.cmpi ne, %convert_element_type3A_382, %cond3A_383 : i32
        scf.if %cond3A_384 {
        } else {
        }
        %and3A_385 = arith.constant false
        %and3A_386 = arith.andi %or3A_381, %and3A_385 : i1
        %ne3A_387 = arith.cmpi ne, %add3A_245, %add3A_270 : i32
        %ne3A_388 = arith.cmpi ne, %add3A_247, %add3A_272 : i32
        %or3A_389 = arith.constant false
        %or3A_390 = arith.ori %or3A_389, %ne3A_387 : i1
        %or3A_391 = arith.ori %or3A_390, %ne3A_388 : i1
        %or3A_392 = arith.constant false
        %or3A_393 = arith.ori %or3A_391, %or3A_392 : i1
        %not3A_394 = arith.constant true
        %not3A_395 = arith.xori %eq3A_242, %not3A_394 : i1
        %and3A_396 = arith.andi %or3A_393, %not3A_395 : i1
        %convert_element_type3A_397 = arith.extui %and3A_396 : i1 to i32
        %cond3A_398 = arith.constant 0 : i32
        %cond3A_399 = arith.cmpi ne, %convert_element_type3A_397, %cond3A_398 : i32
        scf.if %cond3A_399 {
        } else {
        }
        %and3A_400 = arith.constant false
        %and3A_401 = arith.andi %and3A_396, %and3A_400 : i1
        %ne3A_402 = arith.cmpi ne, %add3A_245, %add3A_295 : i32
        %ne3A_403 = arith.cmpi ne, %add3A_247, %add3A_297 : i32
        %or3A_404 = arith.constant false
        %or3A_405 = arith.ori %or3A_404, %ne3A_402 : i1
        %or3A_406 = arith.ori %or3A_405, %ne3A_403 : i1
        %or3A_407 = arith.constant false
        %or3A_408 = arith.ori %or3A_406, %or3A_407 : i1
        %or3A_409 = arith.ori %or3A_408, %eq3A_244 : i1
        %add3A_410 = arith.constant 1 : i32
        %add3A_411 = arith.addi %scan3A_237, %add3A_410 : i32
        %select_n3A_412 = arith.select %or3A_409, %add3A_411, %scan3A_237 : i32
        %add3A_413 = arith.constant 1 : i32
        %add3A_414 = arith.addi %scan3A_240, %add3A_413 : i32
        %select_n3A_415 = arith.constant true
        %select_n3A_416 = arith.select %select_n3A_415, %add3A_414, %scan3A_240 : i32
        %eq3A_417 = arith.constant 2 : i32
        %eq3A_418 = arith.cmpi eq, %select_n3A_416, %eq3A_417 : i32
        %select_n3A_419 = arith.constant 0 : i32
        %select_n3A_420 = arith.select %eq3A_418, %select_n3A_419, %select_n3A_416 : i32
        %add3A_421 = arith.constant 1 : i32
        %add3A_422 = arith.addi %scan3A_239, %add3A_421 : i32
        %select_n3A_423 = arith.select %eq3A_418, %add3A_422, %scan3A_239 : i32
        %eq3A_424 = arith.constant 3 : i32
        %eq3A_425 = arith.cmpi eq, %select_n3A_423, %eq3A_424 : i32
        %select_n3A_426 = arith.constant 0 : i32
        %select_n3A_427 = arith.select %eq3A_425, %select_n3A_426, %select_n3A_423 : i32
        %select_n3A_428 = arith.constant 0 : i32
        %select_n3A_429 = arith.constant 1 : i32
        %select_n3A_430 = arith.select %eq3A_425, %select_n3A_429, %select_n3A_428 : i32
        %eq3A_431 = arith.constant 1 : i32
        %eq3A_432 = arith.cmpi eq, %select_n3A_430, %eq3A_431 : i32
        %select_n3A_433 = arith.constant 0 : i32
        %select_n3A_434 = arith.select %eq3A_432, %select_n3A_433, %select_n3A_430 : i32
        %scan3A_435 = arith.constant 0 : i32
        scf.yield %select_n3A_335, %select_n3A_412, %scan3A_435, %select_n3A_427, %select_n3A_420 : i32, i32, i32, i32, i32
      }
      %scan3A_135 = arith.constant 6 : i32
      %sub3A = arith.constant 1 : i32
      %sub3A_136 = arith.subi %scan3A_134#4, %sub3A : i32
      %select_n3A_137 = arith.constant true
      %select_n3A_138 = arith.select %select_n3A_137, %sub3A_136, %scan3A_134#4 : i32
      %eq3A_139 = arith.constant -1 : i32
      %eq3A_140 = arith.cmpi eq, %select_n3A_138, %eq3A_139 : i32
      %select_n3A_141 = arith.constant 1 : i32
      %select_n3A_142 = arith.select %eq3A_140, %select_n3A_141, %select_n3A_138 : i32
      %sub3A_143 = arith.constant 1 : i32
      %sub3A_144 = arith.subi %scan3A_134#3, %sub3A_143 : i32
      %select_n3A_145 = arith.select %eq3A_140, %sub3A_144, %scan3A_134#3 : i32
      %eq3A_146 = arith.constant -1 : i32
      %eq3A_147 = arith.cmpi eq, %select_n3A_145, %eq3A_146 : i32
      %select_n3A_148 = arith.constant 2 : i32
      %select_n3A_149 = arith.select %eq3A_147, %select_n3A_148, %select_n3A_145 : i32
      %sub3A_150 = arith.constant 1 : i32
      %sub3A_151 = arith.subi %scan3A_134#2, %sub3A_150 : i32
      %select_n3A_152 = arith.select %eq3A_147, %sub3A_151, %scan3A_134#2 : i32
      %eq3A_153 = arith.constant -1 : i32
      %eq3A_154 = arith.cmpi eq, %select_n3A_152, %eq3A_153 : i32
      %select_n3A_155 = arith.constant 0 : i32
      %select_n3A_156 = arith.select %eq3A_154, %select_n3A_155, %select_n3A_152 : i32
      %add3A_157 = arith.addi %select_n3A_149, %mul3A_16 : i32
      %add3A_158 = arith.constant 0 : i32
      %add3A_159 = arith.addi %select_n3A_142, %add3A_158 : i32
      %sub3A_160 = arith.constant 1 : i32
      %sub3A_161 = arith.subi %select_n3A_142, %sub3A_160 : i32
      %select_n3A_162 = arith.constant true
      %select_n3A_163 = arith.select %select_n3A_162, %sub3A_161, %select_n3A_142 : i32
      %eq3A_164 = arith.constant -1 : i32
      %eq3A_165 = arith.cmpi eq, %select_n3A_163, %eq3A_164 : i32
      %select_n3A_166 = arith.constant 1 : i32
      %select_n3A_167 = arith.select %eq3A_165, %select_n3A_166, %select_n3A_163 : i32
      %sub3A_168 = arith.constant 1 : i32
      %sub3A_169 = arith.subi %select_n3A_149, %sub3A_168 : i32
      %select_n3A_170 = arith.select %eq3A_165, %sub3A_169, %select_n3A_149 : i32
      %eq3A_171 = arith.constant -1 : i32
      %eq3A_172 = arith.cmpi eq, %select_n3A_170, %eq3A_171 : i32
      %select_n3A_173 = arith.constant 2 : i32
      %select_n3A_174 = arith.select %eq3A_172, %select_n3A_173, %select_n3A_170 : i32
      %select_n3A_175 = arith.constant 0 : i32
      %select_n3A_176 = arith.constant -1 : i32
      %select_n3A_177 = arith.select %eq3A_172, %select_n3A_176, %select_n3A_175 : i32
      %eq3A_178 = arith.constant -1 : i32
      %eq3A_179 = arith.cmpi eq, %select_n3A_177, %eq3A_178 : i32
      %select_n3A_180 = arith.constant 0 : i32
      %select_n3A_181 = arith.select %eq3A_179, %select_n3A_180, %select_n3A_177 : i32
      %add3A_182 = arith.addi %select_n3A_174, %mul3A_16 : i32
      %add3A_183 = arith.constant 0 : i32
      %add3A_184 = arith.addi %select_n3A_167, %add3A_183 : i32
      %add3A_185 = arith.constant 1 : i32
      %add3A_186 = arith.addi %select_n3A_142, %add3A_185 : i32
      %select_n3A_187 = arith.constant true
      %select_n3A_188 = arith.select %select_n3A_187, %add3A_186, %select_n3A_142 : i32
      %eq3A_189 = arith.constant 2 : i32
      %eq3A_190 = arith.cmpi eq, %select_n3A_188, %eq3A_189 : i32
      %select_n3A_191 = arith.constant 0 : i32
      %select_n3A_192 = arith.select %eq3A_190, %select_n3A_191, %select_n3A_188 : i32
      %add3A_193 = arith.constant 1 : i32
      %add3A_194 = arith.addi %select_n3A_149, %add3A_193 : i32
      %select_n3A_195 = arith.select %eq3A_190, %add3A_194, %select_n3A_149 : i32
      %eq3A_196 = arith.constant 3 : i32
      %eq3A_197 = arith.cmpi eq, %select_n3A_195, %eq3A_196 : i32
      %select_n3A_198 = arith.constant 0 : i32
      %select_n3A_199 = arith.select %eq3A_197, %select_n3A_198, %select_n3A_195 : i32
      %select_n3A_200 = arith.constant 0 : i32
      %select_n3A_201 = arith.constant 1 : i32
      %select_n3A_202 = arith.select %eq3A_197, %select_n3A_201, %select_n3A_200 : i32
      %eq3A_203 = arith.constant 1 : i32
      %eq3A_204 = arith.cmpi eq, %select_n3A_202, %eq3A_203 : i32
      %select_n3A_205 = arith.constant 0 : i32
      %select_n3A_206 = arith.select %eq3A_204, %select_n3A_205, %select_n3A_202 : i32
      %add3A_207 = arith.addi %select_n3A_199, %mul3A_16 : i32
      %add3A_208 = arith.constant 0 : i32
      %add3A_209 = arith.addi %select_n3A_192, %add3A_208 : i32
      %add3A_210 = arith.constant 1 : i32
      %add3A_211 = arith.addi %select_n3A_192, %add3A_210 : i32
      %select_n3A_212 = arith.constant true
      %select_n3A_213 = arith.select %select_n3A_212, %add3A_211, %select_n3A_192 : i32
      %eq3A_214 = arith.constant 2 : i32
      %eq3A_215 = arith.cmpi eq, %select_n3A_213, %eq3A_214 : i32
      %select_n3A_216 = arith.constant 0 : i32
      %select_n3A_217 = arith.select %eq3A_215, %select_n3A_216, %select_n3A_213 : i32
      %add3A_218 = arith.constant 1 : i32
      %add3A_219 = arith.addi %select_n3A_199, %add3A_218 : i32
      %select_n3A_220 = arith.select %eq3A_215, %add3A_219, %select_n3A_199 : i32
      %eq3A_221 = arith.constant 3 : i32
      %eq3A_222 = arith.cmpi eq, %select_n3A_220, %eq3A_221 : i32
      %select_n3A_223 = arith.constant 0 : i32
      %select_n3A_224 = arith.select %eq3A_222, %select_n3A_223, %select_n3A_220 : i32
      %select_n3A_225 = arith.constant 0 : i32
      %select_n3A_226 = arith.constant 1 : i32
      %select_n3A_227 = arith.select %eq3A_222, %select_n3A_226, %select_n3A_225 : i32
      %eq3A_228 = arith.constant 1 : i32
      %eq3A_229 = arith.cmpi eq, %select_n3A_227, %eq3A_228 : i32
      %select_n3A_230 = arith.constant 0 : i32
      %select_n3A_231 = arith.select %eq3A_229, %select_n3A_230, %select_n3A_227 : i32
      %add3A_232 = arith.addi %select_n3A_224, %mul3A_16 : i32
      %add3A_233 = arith.constant 0 : i32
      %add3A_234 = arith.addi %select_n3A_217, %add3A_233 : i32
      tpu.yield
    }) : () -> ()
    %mul3A_17 = arith.constant 2 : i32
    %mul3A_18 = arith.muli %arg1, %mul3A_17 : i32
    %add3A_19 = arith.addi %mul3A_18, %arg0 : i32
    "tpu.region"() ({
      %run_scoped3A = tpu.sem_alloc : memref<!tpu.dma_semaphore, #tpu.memory_space<semaphore_mem>>
      %dma_start3A = arith.constant 0 : i32
      %dma_start3A_20 = tpu.memref_slice %arg3[%add3A_19, %dma_start3A] : memref<32x16xf32, #tpu.memory_space<hbm>> -> memref<1x16xf32, #tpu.memory_space<hbm>>
      %dma_start3A_21 = tpu.memref_squeeze %dma_start3A_20 : memref<1x16xf32, #tpu.memory_space<hbm>> -> memref<16xf32, #tpu.memory_space<hbm>>
      %dma_start3A_22 = arith.constant 0 : i32
      %dma_start3A_23 = tpu.memref_slice %arg3[%add3A_19, %dma_start3A_22] : memref<32x16xf32, #tpu.memory_space<hbm>> -> memref<1x16xf32, #tpu.memory_space<hbm>>
      %dma_start3A_24 = tpu.memref_squeeze %dma_start3A_23 : memref<1x16xf32, #tpu.memory_space<hbm>> -> memref<16xf32, #tpu.memory_space<hbm>>
      tpu.enqueue_dma source(%arg5 : memref<16xf32, #tpu.memory_space<vmem>>) target(%dma_start3A_24 : memref<16xf32, #tpu.memory_space<hbm>>) target_semaphore(%run_scoped3A : memref<!tpu.dma_semaphore, #tpu.memory_space<semaphore_mem>>)
      %dma_wait3A = arith.constant 0 : i32
      %dma_wait3A_25 = tpu.memref_slice %arg3[%add3A_19, %dma_wait3A] : memref<32x16xf32, #tpu.memory_space<hbm>> -> memref<1x16xf32, #tpu.memory_space<hbm>>
      %dma_wait3A_26 = tpu.memref_squeeze %dma_wait3A_25 : memref<1x16xf32, #tpu.memory_space<hbm>> -> memref<16xf32, #tpu.memory_space<hbm>>
      %dma_wait3A_27 = arith.constant 0 : i32
      %dma_wait3A_28 = tpu.memref_slice %arg3[%add3A_19, %dma_wait3A_27] : memref<32x16xf32, #tpu.memory_space<hbm>> -> memref<1x16xf32, #tpu.memory_space<hbm>>
      %dma_wait3A_29 = tpu.memref_squeeze %dma_wait3A_28 : memref<1x16xf32, #tpu.memory_space<hbm>> -> memref<16xf32, #tpu.memory_space<hbm>>
      tpu.wait_dma2 semaphore(%run_scoped3A : memref<!tpu.dma_semaphore, #tpu.memory_space<semaphore_mem>>) src(%arg5 : memref<16xf32, #tpu.memory_space<vmem>>) dst(%dma_wait3A_29 : memref<16xf32, #tpu.memory_space<hbm>>)
      tpu.yield
    }) : () -> ()
    "tpu.region"() ({
      %run_scoped3A = tpu.sem_alloc : memref<!tpu.dma_semaphore, #tpu.memory_space<semaphore_mem>>
      %dma_start3A = arith.constant 0 : i32
      %dma_start3A_20 = tpu.memref_slice %arg4[%add3A_19, %dma_start3A] : memref<32x16xf32, #tpu.memory_space<hbm>> -> memref<1x16xf32, #tpu.memory_space<hbm>>
      %dma_start3A_21 = tpu.memref_squeeze %dma_start3A_20 : memref<1x16xf32, #tpu.memory_space<hbm>> -> memref<16xf32, #tpu.memory_space<hbm>>
      %dma_start3A_22 = arith.constant 0 : i32
      %dma_start3A_23 = tpu.memref_slice %arg4[%add3A_19, %dma_start3A_22] : memref<32x16xf32, #tpu.memory_space<hbm>> -> memref<1x16xf32, #tpu.memory_space<hbm>>
      %dma_start3A_24 = tpu.memref_squeeze %dma_start3A_23 : memref<1x16xf32, #tpu.memory_space<hbm>> -> memref<16xf32, #tpu.memory_space<hbm>>
      tpu.enqueue_dma source(%arg6 : memref<16xf32, #tpu.memory_space<vmem>>) target(%dma_start3A_24 : memref<16xf32, #tpu.memory_space<hbm>>) target_semaphore(%run_scoped3A : memref<!tpu.dma_semaphore, #tpu.memory_space<semaphore_mem>>)
      %dma_wait3A = arith.constant 0 : i32
      %dma_wait3A_25 = tpu.memref_slice %arg4[%add3A_19, %dma_wait3A] : memref<32x16xf32, #tpu.memory_space<hbm>> -> memref<1x16xf32, #tpu.memory_space<hbm>>
      %dma_wait3A_26 = tpu.memref_squeeze %dma_wait3A_25 : memref<1x16xf32, #tpu.memory_space<hbm>> -> memref<16xf32, #tpu.memory_space<hbm>>
      %dma_wait3A_27 = arith.constant 0 : i32
      %dma_wait3A_28 = tpu.memref_slice %arg4[%add3A_19, %dma_wait3A_27] : memref<32x16xf32, #tpu.memory_space<hbm>> -> memref<1x16xf32, #tpu.memory_space<hbm>>
      %dma_wait3A_29 = tpu.memref_squeeze %dma_wait3A_28 : memref<1x16xf32, #tpu.memory_space<hbm>> -> memref<16xf32, #tpu.memory_space<hbm>>
      tpu.wait_dma2 semaphore(%run_scoped3A : memref<!tpu.dma_semaphore, #tpu.memory_space<semaphore_mem>>) src(%arg6 : memref<16xf32, #tpu.memory_space<vmem>>) dst(%dma_wait3A_29 : memref<16xf32, #tpu.memory_space<hbm>>)
      tpu.yield
    }) : () -> ()
    return
  }
}

module attributes {stable_mosaic.version = 14 : i64} {
  func.func @_tc_minmax_body(%arg0: i32, %arg1: i32, %arg2: memref<1x8x256x256xf32, #tpu.memory_space<vmem>>, %arg3: memref<1x1xf32, #tpu.memory_space<smem>>, %arg4: memref<1x1xf32, #tpu.memory_space<smem>>, %arg5: memref<1x256xf32, #tpu.memory_space<vmem>>, %arg6: memref<1x256xf32, #tpu.memory_space<vmem>>) attributes {dimension_semantics = [#tpu.dimension_semantics<arbitrary>, #tpu.dimension_semantics<arbitrary>], iteration_bounds = array<i64: 3, 12>, scalar_prefetch = 0 : i64, scratch_operands = 2 : i64, tpu.core_type = #tpu.core_type<tc>, window_params = [{transform_indices = @transform_0, window_bounds = array<i64: 1, 8, 256, 256>}, {transform_indices = @transform_1, window_bounds = array<i64: 1, 1>}, {transform_indices = @transform_2, window_bounds = array<i64: 1, 1>}]} {
    %mul3A = arith.constant 12 : i32
    %mul3A_0 = arith.muli %arg0, %mul3A : i32
    %add3A = arith.addi %mul3A_0, %arg1 : i32
    %eq3A = arith.constant 0 : i32
    %eq3A_1 = arith.cmpi eq, %add3A, %eq3A : i32
    %convert_element_type3A = arith.extui %eq3A_1 : i1 to i32
    %cond3A = arith.constant 0 : i32
    %cond3A_2 = arith.cmpi ne, %convert_element_type3A, %cond3A : i32
    scf.if %cond3A_2 {
      %broadcast_in_dim3A_26 = arith.constant 0x7F800000 : f32
      %broadcast_in_dim3A_27 = vector.broadcast %broadcast_in_dim3A_26 : f32 to vector<1x256xf32>
      %swap3A_28 = arith.constant 0 : index
      %swap3A_29 = arith.constant 0 : index
      %swap3A_30 = vector.load %arg5[%swap3A_28, %swap3A_29] : memref<1x256xf32, #tpu.memory_space<vmem>>, vector<1x256xf32>
      tpu.vector_store %arg5[%swap3A_28, %swap3A_29], %broadcast_in_dim3A_27 {strides = array<i32>} : memref<1x256xf32, #tpu.memory_space<vmem>>, vector<1x256xf32>,
      %broadcast_in_dim3A_31 = arith.constant 0xFF800000 : f32
      %broadcast_in_dim3A_32 = vector.broadcast %broadcast_in_dim3A_31 : f32 to vector<1x256xf32>
      %swap3A_33 = arith.constant 0 : index
      %swap3A_34 = arith.constant 0 : index
      %swap3A_35 = vector.load %arg6[%swap3A_33, %swap3A_34] : memref<1x256xf32, #tpu.memory_space<vmem>>, vector<1x256xf32>
      tpu.vector_store %arg6[%swap3A_33, %swap3A_34], %broadcast_in_dim3A_32 {strides = array<i32>} : memref<1x256xf32, #tpu.memory_space<vmem>>, vector<1x256xf32>,
    } else {
    }
    %get3A = arith.constant 0 : index
    %get3A_3 = arith.constant 0 : index
    %get3A_4 = arith.constant 0 : index
    %get3A_5 = arith.constant 0 : index
    %get3A_6 = vector.load %arg2[%get3A, %get3A_3, %get3A_4, %get3A_5] : memref<1x8x256x256xf32, #tpu.memory_space<vmem>>, vector<1x8x256x256xf32>
    %reshape3A = vector.shape_cast %get3A_6 : vector<1x8x256x256xf32> to vector<2048x256xf32>
    %get3A_7 = arith.constant 0 : index
    %get3A_8 = arith.constant 0 : index
    %get3A_9 = vector.load %arg5[%get3A_7, %get3A_8] : memref<1x256xf32, #tpu.memory_space<vmem>>, vector<1x256xf32>
    %reduce_min3A = arith.constant dense<0x7F800000> : vector<256xf32>
    %reduce_min3A_10 = vector.multi_reduction <minimumf>, %reshape3A, %reduce_min3A [0] : vector<2048x256xf32> to vector<256xf32>
    %broadcast_in_dim3A = vector.shape_cast %reduce_min3A_10 : vector<256xf32> to vector<1x256xf32>
    %min3A = arith.minimumf %get3A_9, %broadcast_in_dim3A : vector<1x256xf32>
    %swap3A = arith.constant 0 : index
    %swap3A_11 = arith.constant 0 : index
    %swap3A_12 = vector.load %arg5[%swap3A, %swap3A_11] : memref<1x256xf32, #tpu.memory_space<vmem>>, vector<1x256xf32>
    tpu.vector_store %arg5[%swap3A, %swap3A_11], %min3A {strides = array<i32>} : memref<1x256xf32, #tpu.memory_space<vmem>>, vector<1x256xf32>,
    %get3A_13 = arith.constant 0 : index
    %get3A_14 = arith.constant 0 : index
    %get3A_15 = vector.load %arg6[%get3A_13, %get3A_14] : memref<1x256xf32, #tpu.memory_space<vmem>>, vector<1x256xf32>
    %reduce_max3A = arith.constant dense<0xFF800000> : vector<256xf32>
    %reduce_max3A_16 = vector.multi_reduction <maximumf>, %reshape3A, %reduce_max3A [0] : vector<2048x256xf32> to vector<256xf32>
    %broadcast_in_dim3A_17 = vector.shape_cast %reduce_max3A_16 : vector<256xf32> to vector<1x256xf32>
    %max3A = arith.maximumf %get3A_15, %broadcast_in_dim3A_17 : vector<1x256xf32>
    %swap3A_18 = arith.constant 0 : index
    %swap3A_19 = arith.constant 0 : index
    %swap3A_20 = vector.load %arg6[%swap3A_18, %swap3A_19] : memref<1x256xf32, #tpu.memory_space<vmem>>, vector<1x256xf32>
    tpu.vector_store %arg6[%swap3A_18, %swap3A_19], %max3A {strides = array<i32>} : memref<1x256xf32, #tpu.memory_space<vmem>>, vector<1x256xf32>,
    %eq3A_21 = arith.constant 35 : i32
    %eq3A_22 = arith.cmpi eq, %add3A, %eq3A_21 : i32
    %convert_element_type3A_23 = arith.extui %eq3A_22 : i1 to i32
    %cond3A_24 = arith.constant 0 : i32
    %cond3A_25 = arith.cmpi ne, %convert_element_type3A_23, %cond3A_24 : i32
    scf.if %cond3A_25 {
      %get3A_26 = arith.constant 0 : index
      %get3A_27 = arith.constant 0 : index
      %get3A_28 = vector.load %arg5[%get3A_26, %get3A_27] : memref<1x256xf32, #tpu.memory_space<vmem>>, vector<1x256xf32>
      %reduce_min3A_29 = vector.shape_cast %get3A_28 : vector<1x256xf32> to vector<1x1x256xf32>
      %reduce_min3A_30 = arith.constant dense<0x7F800000> : vector<1xf32>
      %reduce_min3A_31 = vector.multi_reduction <minimumf>, %reduce_min3A_29, %reduce_min3A_30 [1, 2] : vector<1x1x256xf32> to vector<1xf32>
      %reduce_min3A_32 = vector.shape_cast %reduce_min3A_31 : vector<1xf32> to vector<1x1x1xf32>
      %reduce_min3A_33 = vector.extract %reduce_min3A_32[0, 0, 0] : f32 from vector<1x1x1xf32>
      %swap3A_34 = arith.constant 0 : index
      %swap3A_35 = arith.constant 0 : index
      %swap3A_36 = memref.load %arg3[%swap3A_34, %swap3A_35] : memref<1x1xf32, #tpu.memory_space<smem>>
      memref.store %reduce_min3A_33, %arg3[%swap3A_34, %swap3A_35] : memref<1x1xf32, #tpu.memory_space<smem>>
      %get3A_37 = arith.constant 0 : index
      %get3A_38 = arith.constant 0 : index
      %get3A_39 = vector.load %arg6[%get3A_37, %get3A_38] : memref<1x256xf32, #tpu.memory_space<vmem>>, vector<1x256xf32>
      %reduce_max3A_40 = vector.shape_cast %get3A_39 : vector<1x256xf32> to vector<1x1x256xf32>
      %reduce_max3A_41 = arith.constant dense<0xFF800000> : vector<1xf32>
      %reduce_max3A_42 = vector.multi_reduction <maximumf>, %reduce_max3A_40, %reduce_max3A_41 [1, 2] : vector<1x1x256xf32> to vector<1xf32>
      %reduce_max3A_43 = vector.shape_cast %reduce_max3A_42 : vector<1xf32> to vector<1x1x1xf32>
      %reduce_max3A_44 = vector.extract %reduce_max3A_43[0, 0, 0] : f32 from vector<1x1x1xf32>
      %swap3A_45 = arith.constant 0 : index
      %swap3A_46 = arith.constant 0 : index
      %swap3A_47 = memref.load %arg4[%swap3A_45, %swap3A_46] : memref<1x1xf32, #tpu.memory_space<smem>>
      memref.store %reduce_max3A_44, %arg4[%swap3A_45, %swap3A_46] : memref<1x1xf32, #tpu.memory_space<smem>>
    } else {
    }
    return
  }
  func.func @transform_0(%arg0: i32, %arg1: i32) -> (i32, i32, i32, i32) {
    %add3A = arith.constant 1 : i32
    %add3A_0 = arith.addi %arg0, %add3A : i32
    %c0_i32 = arith.constant 0 : i32
    %c0_i32_1 = arith.constant 0 : i32
    %c0_i32_2 = arith.constant 0 : i32
    return %add3A_0, %arg1, %c0_i32, %c0_i32_1 : i32, i32, i32, i32
  }
  func.func @transform_1(%arg0: i32, %arg1: i32) -> (i32, i32) {
    %c0_i32 = arith.constant 0 : i32
    %c0_i32_0 = arith.constant 0 : i32
    %c0_i32_1 = arith.constant 0 : i32
    return %c0_i32, %c0_i32_0 : i32, i32
  }
  func.func @transform_2(%arg0: i32, %arg1: i32) -> (i32, i32) {
    %c0_i32 = arith.constant 0 : i32
    %c0_i32_0 = arith.constant 0 : i32
    %c0_i32_1 = arith.constant 0 : i32
    return %c0_i32, %c0_i32_0 : i32, i32
  }
}

module attributes {stable_mosaic.version = 14 : i64} {
  func.func @_quant_body(%arg0: i32, %arg1: i32, %arg2: memref<1x1xf32, #tpu.memory_space<smem>>, %arg3: memref<1x1xf32, #tpu.memory_space<smem>>, %arg4: memref<1x8x256x256xf32, #tpu.memory_space<vmem>>, %arg5: memref<1x8x256x256xf32, #tpu.memory_space<vmem>>) attributes {dimension_semantics = [#tpu.dimension_semantics<arbitrary>, #tpu.dimension_semantics<arbitrary>], iteration_bounds = array<i64: 4, 12>, scalar_prefetch = 0 : i64, scratch_operands = 0 : i64, tpu.core_type = #tpu.core_type<tc>, window_params = [{transform_indices = @transform_0, window_bounds = array<i64: 1, 1>}, {transform_indices = @transform_1, window_bounds = array<i64: 1, 1>}, {transform_indices = @transform_2, window_bounds = array<i64: 1, 8, 256, 256>}, {transform_indices = @transform_3, window_bounds = array<i64: 1, 8, 256, 256>}]} {
    %get3A = arith.constant 0 : index
    %get3A_0 = arith.constant 0 : index
    %get3A_1 = memref.load %arg2[%get3A, %get3A_0] : memref<1x1xf32, #tpu.memory_space<smem>>
    %get3A_2 = arith.constant 0 : index
    %get3A_3 = arith.constant 0 : index
    %get3A_4 = memref.load %arg3[%get3A_2, %get3A_3] : memref<1x1xf32, #tpu.memory_space<smem>>
    %get3A_5 = arith.constant 0 : index
    %get3A_6 = arith.constant 0 : index
    %get3A_7 = arith.constant 0 : index
    %get3A_8 = arith.constant 0 : index
    %get3A_9 = vector.load %arg4[%get3A_5, %get3A_6, %get3A_7, %get3A_8] : memref<1x8x256x256xf32, #tpu.memory_space<vmem>>, vector<1x8x256x256xf32>
    %sub3A = vector.broadcast %get3A_1 : f32 to vector<1x8x256x256xf32>
    %sub3A_10 = arith.subf %get3A_9, %sub3A : vector<1x8x256x256xf32>
    %sub3A_11 = arith.subf %get3A_4, %get3A_1 : f32
    %div3A = vector.broadcast %sub3A_11 : f32 to vector<1x8x256x256xf32>
    %div3A_12 = arith.divf %sub3A_10, %div3A : vector<1x8x256x256xf32>
    %mul3A = arith.constant 2.000000e+00 : f32
    %mul3A_13 = vector.broadcast %mul3A : f32 to vector<1x8x256x256xf32>
    %mul3A_14 = arith.mulf %div3A_12, %mul3A_13 : vector<1x8x256x256xf32>
    %sub3A_15 = arith.constant 1.000000e+00 : f32
    %sub3A_16 = vector.broadcast %sub3A_15 : f32 to vector<1x8x256x256xf32>
    %sub3A_17 = arith.subf %mul3A_14, %sub3A_16 : vector<1x8x256x256xf32>
    %mul3A_18 = arith.constant 1.270000e+02 : f32
    %mul3A_19 = vector.broadcast %mul3A_18 : f32 to vector<1x8x256x256xf32>
    %mul3A_20 = arith.mulf %sub3A_17, %mul3A_19 : vector<1x8x256x256xf32>
    %round3A = math.roundeven %mul3A_20 : vector<1x8x256x256xf32>
    %div3A_21 = arith.constant 1.270000e+02 : f32
    %div3A_22 = vector.broadcast %div3A_21 : f32 to vector<1x8x256x256xf32>
    %div3A_23 = arith.divf %round3A, %div3A_22 : vector<1x8x256x256xf32>
    %swap3A = arith.constant 0 : index
    %swap3A_24 = arith.constant 0 : index
    %swap3A_25 = arith.constant 0 : index
    %swap3A_26 = arith.constant 0 : index
    %swap3A_27 = vector.load %arg5[%swap3A, %swap3A_24, %swap3A_25, %swap3A_26] : memref<1x8x256x256xf32, #tpu.memory_space<vmem>>, vector<1x8x256x256xf32>
    tpu.vector_store %arg5[%swap3A, %swap3A_24, %swap3A_25, %swap3A_26], %div3A_23 {strides = array<i32>} : memref<1x8x256x256xf32, #tpu.memory_space<vmem>>, vector<1x8x256x256xf32>,
    return
  }
  func.func @transform_0(%arg0: i32, %arg1: i32) -> (i32, i32) {
    %c0_i32 = arith.constant 0 : i32
    %c0_i32_0 = arith.constant 0 : i32
    %c0_i32_1 = arith.constant 0 : i32
    return %c0_i32, %c0_i32_0 : i32, i32
  }
  func.func @transform_1(%arg0: i32, %arg1: i32) -> (i32, i32) {
    %c0_i32 = arith.constant 0 : i32
    %c0_i32_0 = arith.constant 0 : i32
    %c0_i32_1 = arith.constant 0 : i32
    return %c0_i32, %c0_i32_0 : i32, i32
  }
  func.func @transform_2(%arg0: i32, %arg1: i32) -> (i32, i32, i32, i32) {
    %c0_i32 = arith.constant 0 : i32
    %c0_i32_0 = arith.constant 0 : i32
    %c0_i32_1 = arith.constant 0 : i32
    return %arg0, %arg1, %c0_i32, %c0_i32_0 : i32, i32, i32, i32
  }
  func.func @transform_3(%arg0: i32, %arg1: i32) -> (i32, i32, i32, i32) {
    %c0_i32 = arith.constant 0 : i32
    %c0_i32_0 = arith.constant 0 : i32
    %c0_i32_1 = arith.constant 0 : i32
    return %arg0, %arg1, %c0_i32, %c0_i32_0 : i32, i32, i32, i32
  }
}

</mosaic_0001>

<sc_bundles>
// kernel: kernel.5.cloned.1.call-start
scs
__scs_entry_jumppad:
0x0: {  	(pc) =	sbr.rel $0x88, $3  }
0x1: {  	(tag) =	ssettag $0x0;
	lr =	simm.s32 $0x1  }
0x2: {  	[smem:$0x3FA0] =	sst lr;
	_ =	strace $0xD0000000  }
0x3: {  	_ = 	snop  }
0x4: {  	_ = 	snop  }
0x5: {  	_ = 	snop  }
0x6: {  	_ = 	snop  }
0x7: {  	_ = 	snop  }
__scs_overlays_trampoline_lowered:
0x8: {  	[smem:$0x3FAF] =	sst s0  }
0x9: {  	[smem:$0x3FB0] =	sst s1  }
0xa: {  	[smem:$0x3FB1] =	sst s2  }
0xb: {  	[smem:$0x3FB2] =	sst s3  }
0xc: {  	[smem:$0x3FB3] =	sst s4  }
0xd: {  	[smem:$0x3FB4] =	sst s5  }
0xe: {  	[smem:$0x3FB5] =	sst s6  }
0xf: {  	[smem:$0x3FB6] =	sst s7  }
0x10: {  	[smem:$0x3FB7] =	sst s8  }
0x11: {  	[smem:$0x3FB8] =	sst s9;
	s0 =	simm.s32 @!p0 $0x0  }
0x12: {  	s1 =	sld [smem:$0x3F9E];
	s0 =	simm.s32 @p0 $0x1  }
0x13: {  	[smem:$0x3FB9] =	sst s0;
	s0 =	simm.s32 @!p1 $0x0  }
0x14: {  	s2 =	sld [smem:$0x3F9D];
	s0 =	simm.s32 @p1 $0x1  }
0x15: {  	[smem:$0x3FBA] =	sst s0;
	s0 =	simm.s32 @!p2 $0x0  }
0x16: {  	s3 =	sld [smem:$0x3FDB];
	s0 =	simm.s32 @p2 $0x1  }
0x17: {  	s4 =	simm.s32 $0x1BF5;
	[smem:$0x3FBC] =	sst s0  }
0x18: {  	s0 =	sld [smem:$0x3F9F];
	_ =	swait.ge [sflag:s4], $0x0  }
0x19: {  	s7 =	sld [smem:$0x3FA0]  }
0x1a: {  	s8 =	sadd.s32 $0xFFFFE003, lr  }
0x1b: {  	s9 =	sadd.s32 $0xFFFFFEF7, lr;
	s5 =	simm.s32 $0xFFFFFFFF;
	p2 =	slt.u32 s8, $0xFFFFF086  }
0x1c: {  	p1 =	slt.u32 s9, $0xF7A;
	s5 =	simm.s32 @!p2 $0x0  }
0x1d: {  	s5 =	simm.s32 @p1 $0x1;
	p0 =	seq.s32 s7, s2  }
0x1e: {  	s7 =	smul.u32 @!p0 $0xF7A, s2;
	p2 =	seq.s32 @!p0 s5, $0x0  }
0x1f: {  	s9 =	smul.u32 $0xF7A, s1;
	s8 =	simm.s32 @!p0 $0x1BF5;
	p2 =	por !p2, p0  }
0x20: {  	[sflag:s8] =	ssyncset.s32 @!p0 $0xFFFFF086;
	s6 =	sadd.s32 @!p0 s3, s7;
	s7 =	simm.s32 @!p0 $0x108  }
0x21: {  	s3 =	sadd.s32 s3, s9;
	s6 =	sadd.s32 @!p0 $0x88, s6;
	s7 =	simm.s32 @p2 $0x1082  }
0x22: {  	[simem:s7], [sflag:s8] =	dma.local @!p0 [hbm:s6], $0xF7A  }
0x23: {  	s9 =	sor.u32 $0xD0000000, s2;
	s6 =	simm.s32 $0x108;
	_ =	swait.ge @!p0 [sflag:s8], $0x0  }
0x24: {  	s3 =	sadd.s32 $0x88, s3;
	s6 =	simm.s32 @!p1 $0x1082;
	[sflag:s4] =	ssyncset.s32 $0xFFFFF086  }
0x25: {  	[simem:s6], [sflag:s4] =	dma.local [hbm:s3], $0xF7A  }
0x26: {  	[smem:$0x3FA0] =	sst s1;
	(tag) =	ssettag s2;
	_ =	strace s9  }
0x27: {  	s1 =	sld [smem:$0x3FB0]  }
0x28: {  	s2 =	sld [smem:$0x3FB1]  }
0x29: {  	s4 =	sld [smem:$0x3FB3]  }
0x2a: {  	p0 =	seq.s32 s5, $0x0;
	s5 =	sld [smem:$0x3FB4]  }
0x2b: {  	s6 =	sld [smem:$0x3FB5]  }
0x2c: {  	s7 =	sld [smem:$0x3FB6]  }
0x2d: {  	s3 =	simm.s32 $0x108;
	s8 =	sld [smem:$0x3FB7]  }
0x2e: {  	s3 =	simm.s32 @!p0 $0x1082;
	s9 =	sld [smem:$0x3FB8]  }
0x2f: {  	lr =	sadd.s32 s0, s3;
	s0 =	sld [smem:$0x3FAF]  }
0x30: {  	s3 =	sld [smem:$0x3FB2]  }
0x31: {  	[smem:$0x3FBB] =	sst s10  }
0x32: {  	s10 =	sld [smem:$0x3FB9];
	_ =	sdelay $0x3  }
0x33: {  	p0 =	seq.s32 s10, $0x1;
	s10 =	sld [smem:$0x3FBB];
	_ =	sdelay $0x3  }
0x34: {  	[smem:$0x3FBB] =	sst s10  }
0x35: {  	s10 =	sld [smem:$0x3FBA];
	_ =	sdelay $0x3  }
0x36: {  	p1 =	seq.s32 s10, $0x1;
	s10 =	sld [smem:$0x3FBB];
	_ =	sdelay $0x3  }
0x37: {  	[smem:$0x3FBB] =	sst s10  }
0x38: {  	s10 =	sld [smem:$0x3FBC]  }
0x39: {  	_ = 	snop;
	(pc) =	sbr.ind lr, $3  }
0x3a: {  	_ = 	snop  }
0x3b: {  	_ = 	snop  }
0x3c: {  	p2 =	seq.s32 s10, $0x1;
	s10 =	sld [smem:$0x3FBB]  }
0x3d: {  	_ =	shalt  }
0x3e: {  	_ =	shalt  }
0x3f: {  	_ =	shalt  }
0x40: {  	_ =	shalt  }
0x41: {  	_ =	shalt  }
0x42: {  	_ =	shalt  }
0x43: {  	_ =	shalt  }
0x44: {  	_ =	shalt  }
0x45: {  	_ =	shalt  }
0x46: {  	_ =	shalt  }
0x47: {  	_ =	shalt  }
0x48: {  	_ =	shalt  }
0x49: {  	_ =	shalt  }
0x4a: {  	_ =	shalt  }
0x4b: {  	_ =	shalt  }
0x4c: {  	_ =	shalt  }
0x4d: {  	_ =	shalt  }
0x4e: {  	_ =	shalt  }
0x4f: {  	_ =	shalt  }
0x50: {  	_ =	shalt  }
0x51: {  	_ =	shalt  }
0x52: {  	_ =	shalt  }
0x53: {  	_ =	shalt  }
0x54: {  	_ =	shalt  }
0x55: {  	_ =	shalt  }
0x56: {  	_ =	shalt  }
0x57: {  	_ =	shalt  }
0x58: {  	_ =	shalt  }
0x59: {  	_ =	shalt  }
0x5a: {  	_ =	shalt  }
0x5b: {  	_ =	shalt  }
0x5c: {  	_ =	shalt  }
0x5d: {  	_ =	shalt  }
0x5e: {  	_ =	shalt  }
0x5f: {  	_ =	shalt  }
0x60: {  	_ =	shalt  }
0x61: {  	_ =	shalt  }
0x62: {  	_ =	shalt  }
0x63: {  	_ =	shalt  }
0x64: {  	_ =	shalt  }
0x65: {  	_ =	shalt  }
0x66: {  	_ =	shalt  }
0x67: {  	_ =	shalt  }
0x68: {  	_ =	shalt  }
0x69: {  	_ =	shalt  }
0x6a: {  	_ =	shalt  }
0x6b: {  	_ =	shalt  }
0x6c: {  	_ =	shalt  }
0x6d: {  	_ =	shalt  }
0x6e: {  	_ =	shalt  }
0x6f: {  	_ =	shalt  }
0x70: {  	_ =	shalt  }
0x71: {  	_ =	shalt  }
0x72: {  	_ =	shalt  }
0x73: {  	_ =	shalt  }
0x74: {  	_ =	shalt  }
0x75: {  	_ =	shalt  }
0x76: {  	_ =	shalt  }
0x77: {  	_ =	shalt  }
0x78: {  	_ =	shalt  }
0x79: {  	_ =	shalt  }
0x7a: {  	_ =	shalt  }
0x7b: {  	_ =	shalt  }
0x7c: {  	_ =	shalt  }
0x7d: {  	_ =	shalt  }
0x7e: {  	_ =	shalt  }
0x7f: {  	_ =	shalt  }
0x80: {  	_ =	shalt  }
0x81: {  	_ =	shalt  }
0x82: {  	_ =	shalt  }
0x83: {  	_ =	shalt  }
0x84: {  	_ =	shalt  }
0x85: {  	_ =	shalt  }
0x86: {  	_ =	shalt  }
0x87: {  	_ =	shalt  }
.Lfunc_end0:
.L_simem_size_0:
called_computation_lowered:
.L_overlay_start_0:
0x88: {  	s2 =	sld [smem:$0x3FD9]  }
0x89: {  	s3 =	sld [smem:$0x3FFE];
	_ =	sdelay $0x1  }
0x8a: {  	s1 =	srdreg.scid  }
0x8b: {  	s0 =	sand.u32 $0x1, s1  }
0x8c: {  	s14 =	sshll.u32 s0, $0xA;
	s2 =	sadd.s32 s3, s2  }
0x8d: {  	s2 =	sadd.s32 s2, s14  }
0x8e: {  	[smem:$0x3FC7] =	sst s2  }
0x8f: {  	_ = 	snop  }
0x90: {  	s2 =	sld [smem:$0x3FD0];
	_ =	sdelay $0x2  }
0x91: {  	s4 =	simm.s32 $0xA;
	s5 =	simm.s32 $0x10;
	s15 =	sld [smem:$0x3FC9]  }
0x92: {  	[smem:s5], [sflag:s4] =	dma.local [hbm:s2], $0x1  }
0x93: {  	_ =	swait.eq [sflag:s4], $0x1  }
0x94: {  	[sflag:s4] =	ssyncset.done $0x0  }
0x95: {  	[sflag:s4] =	ssyncadd.s32 $0xFFFFFFFF  }
0x96: {  	s16 =	sld [smem:$0x10];
	(tm) =	ssettm $0x1  }
0x97: {  	s17 =	sld [smem:$0x3FFB];
	_ =	sdelay $0x3  }
0x98: {  	_ =	strace s17  }
0x99: {  	s4 =	sld [smem:$0x3FFC];
	_ =	sdelay $0x3  }
0x9a: {  	_ =	strace s4  }
0x9b: {  	s4 =	sld [smem:$0x3FFD];
	_ =	sdelay $0x3  }
0x9c: {  	_ =	strace s4  }
0x9d: {  	_ =	strace $0x8FFFFFFF  }
0x9e: {  	s18 =	sld [smem:$0x3FDB];
	_ =	sdelay $0x1  }
0x9f: {  	s19 =	simm.s32 $_scs_section_size  }
0xa0: {  	s6 =	simm.s32 $_size__tile_overlayer_lowered;
	s7 =	simm.s32 $_tile_overlayer_lowered  }
0xa1: {  	s22 =	simm.s32 $0x1BFF;
	s21 =	sshll.u32 s7, $0x1;
	s4 =	sadd.s32 s19, s18  }
0xa2: {  	s8 =	simm.s32 $0x0;
	s20 =	sshll.u32 s6, $0x1;
	s6 =	sadd.s32 s21, s4  }
0xa3: {  	[timem:s8], [sflag:s22] =	dma.local [hbm:s6], s20  }
0xa4: {  	_ =	swait.ge [sflag:s22], s20  }
0xa5: {  	s5 =	ssub.s32 $0x0, s20;
	[sflag:s22] =	ssyncset.done $0x0  }
0xa6: {  	[sflag:s22] =	ssyncadd.s32 s5;
	_ =	sdelay $0x1  }
0xa7: {  	s23 =	simm.s32 $0x1B8B  }
0xa8: {  	_ =	swait.ge [sflag:s23], $0x1  }
0xa9: {  	[sflag:s23] =	ssyncset.done $0x0  }
0xaa: {  	s25 =	simm.s32 $0x1B8E;
	s24 =	sld [smem:$0x3FFE];
	[sflag:s23] =	ssyncadd.s32 $0xFFFFFFFF  }
0xab: {  	s26 =	simm.s32 $execute0_lowered;
	[smem:$0x3FD2] =	sst s25  }
0xac: {  	s6 =	sshll.u32 s26, $0x1;
	_ =	strace $0x80000046;
	[dreg:$0x1] =	wrdreg $0xFFFFFFFF  }
0xad: {  	s28 =	simm.s32 $_size_execute0_lowered;
	s4 =	sadd.s32 s4, s6;
	[dreg:$0x0] =	wrdreg $0x0  }
0xae: {  	s6 =	sshll.u32 s28, $0x1;
	[dreg:$0x2] =	wrdreg s4  }
0xaf: {  	[dreg:$0x3] =	wrdreg s6  }
0xb0: {  	[dreg:$0x4] =	wrdreg $0xC0  }
0xb1: {  	_ =	task [dreg:s8], $0x5FFFF  }
0xb2: {  	[dreg:$0x1] =	wrdreg $0xFFFFFFFF  }
0xb3: {  	[dreg:$0x0] =	wrdreg $0x60  }
0xb4: {  	[dreg:$0x2] =	wrdreg s15  }
0xb5: {  	[dreg:$0x3] =	wrdreg s16  }
0xb6: {  	[dreg:$0x4] =	wrdreg s24  }
0xb7: {  	[dreg:$0x5] =	wrdreg $0x9  }
0xb8: {  	_ =	task.clear_ibuf [dreg:s8], $0x6FFFF;
	_ =	strace $0x90000046  }
0xb9: {  	s29 =	simm.s32 $0x9;
	_ =	strace $0x8000004C  }
0xba: {  	_ =	swait.ge [sflag:s29], $0x1  }
0xbb: {  	[sflag:s29] =	ssyncadd.s32 $0xFFFFFFFF  }
0xbc: {  	_ =	strace $0x9000004C  }
0xbd: {  	_ =	sfence  }
0xbe: {  	s30 =	sld [smem:$0x0];
	_ =	sdelay $0x2  }
0xbf: {  	s31 =	sshll.u32 s1, $0xD;
	s1 =	sshrl.u32 s1, $0x2  }
0xc0: {  	s3 =	sand.u32 $0x4000, s31;
	s1 =	sadd.s32 s1, s30  }
0xc1: {  	s0 =	sor.u32 s3, s0;
	s1 =	sshll.u32 s1, $0x11  }
0xc2: {  	s0 =	sor.u32 s1, s0  }
0xc3: {  	s0 =	sadd.s32 $0x8F2B, s0  }
0xc4: {  	[sflag:s0] =	ssyncadd.remote.s32 $0x1  }
0xc5: {  	_ =	sfence.sel $0xFFFF  }
0xc6: {  	[dreg:$0x0] =	wrdreg $0xFFFFFFFF;
	(pc) =	sbr.abs _section_cstart, $3  }
0xc7: {  	[dreg:$0x1] =	wrdreg $0xFFFFFFFF  }
0xc8: {  	_ =	task.clear_ibuf [dreg:s8], $0x2FFFF;
	_ =	strace $0x9FFFFFFF  }
0xc9: {  	(tm) =	ssettm $0x7FFFFFFF  }
tec
execute0_lowered:
.L_overlay_start_1:
0x0: {  	(tag) =	ssettag $0x1  }
0x1: {  	s1 =	rddreg [dreg:$0x0]  }
0x2: {  	s6 =	rddreg [dreg:$0x1]  }
0x3: {  	s7 =	rddreg [dreg:$0x2]  }
0x4: {  	s2 =	srdreg.scid;
	s0 =	rddreg [dreg:$0x3];
	s3 =	simm.s32 $0x0  }
0x5: {  	s12 =	simm.s32 $0x0;
	s4 =	sand.u32 $0x1, s2;
	s2 =	stileid.u32  }
0x6: {  	[smem:$0x7FF] =	sst s3;
	s5 =	sshll.u32 s4, $0x4;
	s4 =	ssub.s32 $0x2, s4  }
0x7: {  	s11 =	sshll.u32 s2, $0x5;
	_ =	strace $0x80000047;
	s8 =	sor.u32 s2, s5  }
0x8: {  	s9 =	sshrl.u32 s4, $0x1;
	s11 =	sor.u32 s5, s11;
	s10 =	smul.u32 $0x6000, s8  }
0x9: {  	s9 =	ssub.s32 s4, s9;
	s4 =	smul.u32 $0x3, s8;
	s6 =	sadd.s32 s6, s11  }
0xa: {  	s7 =	sadd.s32 s7, s11;
	s11 =	simm.s32 $0x80;
	s8 =	smax.u32 s9, $0x1  }
0xb: {  	v0 =	vimm.f32 $+Inf;
	v1 =	vimm.f32 $-Inf;
	s9 =	simm.s32 $0x100;
	s5 =	sadd.s32 s1, s10;
	s10 =	simm.s32 $0x1  }
.LBB2_1:
0xc: {  	[tilespmem:$0x0] =	vst v0  }
0xd: {  	[tilespmem:$0x80] =	vst v1;
	s13 =	simm.s32 $0x0  }
0xe: {  	s15 =	simm.s32 $0x0;
	s14 =	simm.s32 $0x0;
	_ =	strace $0x80000048  }
0xf: {  	[tilespmem:s9], [sflag:$0x1] =	stream.linear.gather [hbm4b:s5+s3], $0x8000, $0x200038;
	[tilespmem:$0x10100] =	vst v63  }
0x10: {  	s16 =	simm.s32 $0x1;
	s17 =	simm.s32 $0x0;
	_ =	strace $0x90000048  }
.LBB2_2:
0x11: {  	s18 =	smov.u32 s13;
	s13 =	sadd.s32 $0x1, s13  }
0x12: {  	s19 =	simm.s32 $0x1;
	p0 =	seq.s32 s13, $0x2  }
0x13: {  	s19 =	simm.s32 @!p0 $0x0  }
0x14: {  	s20 =	smov.u32 s15;
	s15 =	sadd.s32 s19, s15  }
0x15: {  	p1 =	seq.s32 s15, $0x3  }
0x16: {  	s13 =	simm.s32 @p0 $0x0;
	s15 =	simm.s32 @p1 $0x0  }
0x17: {  	p5 =	sne.s32 s18, s13;
	p4 =	sne.s32 s20, s15  }
0x18: {  	p6 =	sne.s32 s17, $0x5;
	p0 =	por p5, p4  }
0x19: {  	p1 =	por !p6, !p0  }
0x1a: {  	p1 =	por !p1, !p1  }
0x1b: {  	s18 =	sadd.s32 @p1 s4, s15  }
0x1c: {  	s19 =	sshll.u32 @p1 s13, $0xF;
	s18 =	sshll.u32 @p1 s18, $0x10  }
0x1d: {  	s20 =	sand.u32 @p1 $0x1, s16;
	_ =	strace @p1 $0x80000049;
	s18 =	sadd.s32 @p1 s19, s18  }
0x1e: {  	s21 =	simm.s32 @p1 $0x0;
	s19 =	sshll.u32 @p1 s20, $0xF;
	s18 =	sshrl.u32 @p1 s18, $0x3  }
0x1f: {  	s20 =	sadd.s32 @p1 $0x1, s20;
	s19 =	sor.u32 @p1 $0x100, s19;
	s18 =	sadd.s32 @p1 s1, s18  }
0x20: {  	[tilespmem:s19], [sflag:s20] =	stream.linear.gather @p1 [hbm4b:s18+s21], $0x8000, $0x200038;
	[tilespmem:$0x10100] =	vst v63  }
0x21: {  	s28 =	sand.u32 $0x1, s14;
	_ =	strace @p1 $0x90000049  }
0x22: {  	s18 =	sadd.s32 $0x1, s28;
	_ =	strace $0x8000004A  }
0x23: {  	_ =	swait.ge [sflag:s18], $0x8000  }
0x24: {  	[sflag:s18] =	ssyncset.done $0x0  }
0x25: {  	s29 =	sshll.u32 s14, $0xF;
	[sflag:s18] =	ssyncadd.s32 $0xFFFF8000  }
0x26: {  	s19 =	simm.s32 $0x0;
	s18 =	sand.u32 $0x8000, s29;
	_ =	strace $0x9000004A  }
0x27: {  	s30 =	sand.u32 $0x7800, s19;
	s20 =	sor.u32 $0x100, s18;
	_ =	strace $0x8000004B  }
0x28: {  	s31 =	sand.u32 $0x380, s19;
	s18 =	sadd.s32 s30, s20;
	v8 =	vld [tilespmem:$0x0]  }
0x29: {  	v9 =	vld [tilespmem:$0x80];
	s18 =	sadd.s32 s31, s18  }
0x2a: {  	v7 =	vld [tilespmem:s18+$0x0]  }
0x2b: {  	v6 =	vld [tilespmem:s18+$0x20]  }
0x2c: {  	v5 =	vld [tilespmem:s18+$0x40]  }
0x2d: {  	v4 =	vld [tilespmem:s18+$0x60]  }
0x2e: {  	v2 =	vld [tilespmem:s18+$0x400]  }
0x2f: {  	s21 =	simm.s32 $0x100;
	v3 =	vld [tilespmem:s18+$0x420];
	v10 =	vmov v9;
	v11 =	vmin.f32 v8, v7  }
.LBB2_3:
0x30: {  	p2 =	sne.s32 s21, $0x7F00;
	v11 =	vmin.f32 v11, v6;
	v12 =	vld [tilespmem:s18+$0x440]  }
0x31: {  	v11 =	vmin.f32 v11, v5;
	v13 =	vld [tilespmem:s18+$0x460]  }
0x32: {  	v14 =	vld [tilespmem:s18+$0x10];
	v11 =	vmin.f32 v11, v4  }
0x33: {  	v15 =	vld [tilespmem:s18+$0x30];
	v11 =	vmin.f32 v11, v2  }
0x34: {  	v16 =	vld [tilespmem:s18+$0x50];
	v11 =	vmin.f32 v11, v3  }
0x35: {  	v17 =	vld [tilespmem:s18+$0x70];
	v11 =	vmin.f32 v11, v12  }
0x36: {  	v18 =	vld [tilespmem:s18+$0x410];
	v11 =	vmin.f32 v11, v13  }
0x37: {  	s22 =	sand.u32 $0x7800, s21;
	v7 =	vmax.f32 v9, v7;
	s19 =	sadd.s32 $0x80, s19;
	v8 =	vmin.f32 v8, v14;
	v9 =	vmax.f32 v10, v14;
	v10 =	vld [tilespmem:s18+$0x430]  }
0x38: {  	s23 =	sand.u32 $0x380, s19;
	s22 =	sadd.s32 s22, s20;
	v6 =	vmax.f32 v7, v6;
	v7 =	vmin.f32 v8, v15;
	v8 =	vmax.f32 v9, v15;
	v9 =	vld [tilespmem:s18+$0x450]  }
0x39: {  	v5 =	vmax.f32 v6, v5;
	v6 =	vmin.f32 v7, v16;
	v8 =	vmax.f32 v8, v16;
	v14 =	vld [tilespmem:s18+$0x470];
	s18 =	sadd.s32 s23, s22  }
0x3a: {  	v4 =	vmax.f32 v5, v4;
	v7 =	vld [tilespmem:s18+$0x0];
	v5 =	vmin.f32 v6, v17;
	v8 =	vmax.f32 v8, v17  }
.Ltmp0:
0x3b: {  	v2 =	vmax.f32 v4, v2;
	v6 =	vld [tilespmem:s18+$0x20];
	v4 =	vmin.f32 v5, v18;
	v8 =	vmax.f32 v8, v18;
	(pc) =	sbr.rel @p2 .LBB2_3-.Ltmp0, $4  }
0x3c: {  	v2 =	vmax.f32 v2, v3;
	v5 =	vld [tilespmem:s18+$0x40];
	v3 =	vmin.f32 v4, v10;
	v8 =	vmax.f32 v8, v10  }
0x3d: {  	v10 =	vmax.f32 v2, v12;
	v4 =	vld [tilespmem:s18+$0x60];
	v3 =	vmin.f32 v3, v9;
	v12 =	vmax.f32 v8, v9  }
0x3e: {  	v9 =	vmax.f32 v10, v13;
	v2 =	vld [tilespmem:s18+$0x400];
	v8 =	vmin.f32 v3, v14;
	v10 =	vmax.f32 v12, v14  }
0x3f: {  	s21 =	sadd.s32 $0x100, s21;
	v11 =	vmin.f32 v11, v7;
	v3 =	vld [tilespmem:s18+$0x420]  }
0x40: {  	v12 =	vld [tilespmem:s18+$0x440]  }
0x41: {  	v13 =	vld [tilespmem:s18+$0x460]  }
0x42: {  	v14 =	vld [tilespmem:s18+$0x10]  }
0x43: {  	v15 =	vld [tilespmem:s18+$0x30]  }
0x44: {  	v11 =	vmin.f32 v11, v6;
	v16 =	vld [tilespmem:s18+$0x50]  }
0x45: {  	v17 =	vld [tilespmem:s18+$0x70];
	v7 =	vmax.f32 v9, v7;
	v11 =	vmin.f32 v11, v5  }
0x46: {  	v18 =	vld [tilespmem:s18+$0x410];
	v52 =	vmax.f32 v7, v6;
	v11 =	vmin.f32 v11, v4  }
0x47: {  	v50 =	vld [tilespmem:s18+$0x430];
	v55 =	vmax.f32 v52, v5;
	v11 =	vmin.f32 v11, v2;
	v8 =	vmin.f32 v8, v14  }
0x48: {  	v51 =	vld [tilespmem:s18+$0x450];
	v58 =	vmax.f32 v55, v4;
	v10 =	vmax.f32 v10, v14;
	v8 =	vmin.f32 v8, v15  }
0x49: {  	v54 =	vld [tilespmem:s18+$0x470];
	v11 =	vmin.f32 v11, v3;
	v53 =	vmax.f32 v10, v15;
	v8 =	vmin.f32 v8, v16  }
0x4a: {  	v2 =	vmax.f32 v58, v2;
	v56 =	vmax.f32 v53, v16;
	v57 =	vmin.f32 v8, v17  }
0x4b: {  	p2 =	seq.s32 s17, $0x5;
	v11 =	vmin.f32 v11, v12;
	v59 =	vmax.f32 v56, v17;
	v60 =	vmin.f32 v57, v18  }
0x4c: {  	s19 =	simm.s32 $0x1;
	s17 =	sadd.s32 $0x1, s17;
	p0 =	por p2, p0;
	v2 =	vmax.f32 v2, v3;
	v61 =	vmax.f32 v59, v18;
	v62 =	vmin.f32 v60, v50  }
0x4d: {  	s19 =	simm.s32 @!p0 $0x0;
	p0 =	sne.s32 s17, $0x6;
	v11 =	vmin.f32 v11, v13;
	v3 =	vmax.f32 v61, v50;
	v63 =	vmin.f32 v62, v51  }
.Ltmp1:
0x4e: {  	v2 =	vmax.f32 v2, v12;
	v3 =	vmax.f32 v3, v51;
	v4 =	vmin.f32 v63, v54;
	(pc) =	sbr.rel @p0 .LBB2_2-.Ltmp1, $4  }
0x4f: {  	v2 =	vmax.f32 v2, v13;
	v3 =	vmax.f32 v3, v54;
	v4 =	vmin.f32 v11, v4  }
0x50: {  	s18 =	simm.s32 $0x1;
	v2 =	vmax.f32 v2, v3;
	[tilespmem:$0x0] =	vst v4  }
0x51: {  	s18 =	simm.s32 @!p1 $0x0;
	[tilespmem:$0x80] =	vst v2  }
0x52: {  	s16 =	sadd.s32 s18, s16;
	s14 =	sadd.s32 s19, s14;
	_ =	strace $0x9000004B  }
0x53: {  	[hbm4b:s6+s3] =	stream.linear.scatter [tilespmem:s3], [sflag:$0x1], $0x80, $0x38;
	[tilespmem:$0x10100] =	vst v63  }
0x54: {  	s12 =	sadd.s32 $0x1, s12;
	_ =	swait.ge [sflag:s10], $0x80  }
0x55: {  	p0 =	sne.s32 s12, s8;
	[sflag:s10] =	ssyncset.done $0x0  }
.Ltmp2:
0x56: {  	[sflag:s10] =	ssyncadd.s32 $0xFFFFFF80;
	(pc) =	sbr.rel @p0 .LBB2_1-.Ltmp2, $4  }
0x57: {  	[hbm4b:s7+s3] =	stream.linear.scatter [tilespmem:s11], [sflag:$0x1], $0x80, $0x38;
	[tilespmem:$0x10100] =	vst v63  }
0x58: {  	_ =	swait.ge [sflag:s10], $0x80  }
0x59: {  	[sflag:s10] =	ssyncset.done $0x0  }
0x5a: {  	[sflag:s10] =	ssyncadd.s32 $0xFFFFFF80  }
0x5b: {  	_ =	sfence.sel $0x180000  }
0x5c: {  	[bflag:$0x0] =	sbarrier.arrive $0xFFFF  }
0x5d: {  	p0 =	sne.s32 s2, $0x0;
	_ =	strace $0x90000047  }
0x5e: {  	s0 =	sadd.s32 @!p0 $0x100000, s0;
	[bflag:$0x2] =	sbarrier.arrive $0xFFFF  }
0x5f: {  	[sflag:s0] =	ssyncadd.tile.s32 @!p0 $0x1;
	_ =	shalt  }
.Lfunc_end2:
_tile_overlayer_lowered:
.L_overlay_start_2:
0x60: {  	(tag) =	ssettag $0x2  }
0x61: {  	s0 =	rddreg [dreg:$0x0];
	s2 =	stileid.u32  }
0x62: {  	s1 =	rddreg [dreg:$0x1];
	p0 =	sne.s32 s2, $0x0  }
0x63: {  	s3 =	rddreg [dreg:$0x2];
	[bflag:$0x3] =	sbarrier.arrive $0xFFFF;
	s2 =	simm.s32 @!p0 $0x1C01  }
0x64: {  	[timem:s3], [sflag:s2] =	dma.local @!p0 [hbm:s0], s1  }
0x65: {  	s0 =	simm.s32 @!p0 $0x1  }
0x66: {  	_ =	swait.ge @!p0 [sflag:s0], s1  }
0x67: {  	s1 =	ssub.s32 @!p0 $0x0, s1;
	[sflag:s0] =	ssyncset.done @!p0 $0x0  }
0x68: {  	[sflag:s0] =	ssyncadd.s32 @!p0 s1  }
0x69: {  	[bflag:$0x3] =	sbarrier.arrive $0xFFFF  }
0x6a: {  	_ =	shalt  }

</sc_bundles>
